<compile_context>
chip_gen: v7x
topology: tpu7x:2x2x1
jax: 0.10.2.dev20260603
libtpu: 0.0.44.dev20260713+nightly
codegen_flags: <defaults>
</compile_context>

<pallas_src>
import functools

import jax
import jax.numpy as jnp
from jax import lax
from jax.experimental import pallas as pl
from jax.experimental.pallas import tpu as pltpu
from jax.experimental.pallas import tpu_sc as plsc

_D = 64
_C = 20
_VC = 2048
_IDX_CHUNK = 128



def _pool_sc(item_id, ctx_ids_flat, item_table, ctx_table):
    B = item_id.shape[0]
    info = plsc.get_sparse_core_info()
    nw = info.num_cores * info.num_subcores
    assert B % nw == 0
    bpw = B // nw
    nci = bpw * _C
    assert nci % _IDX_CHUNK == 0
    n_gather = nci // _IDX_CHUNK

    item_idx2 = item_id.reshape(nw, bpw)
    ctx_idx3 = ctx_ids_flat.reshape(nw, nci // _IDX_CHUNK, _IDX_CHUNK)

    mesh = plsc.VectorSubcoreMesh(
        core_axis_name="c", subcore_axis_name="s",
        num_cores=info.num_cores)

    @functools.partial(
        pl.kernel,
        out_type=jax.ShapeDtypeStruct((B, _D), jnp.float32),
        mesh=mesh,
        scratch_types=[
            pltpu.VMEM((bpw,), jnp.int32),
            pltpu.VMEM((n_gather, _IDX_CHUNK), jnp.int32),
            pltpu.VMEM((bpw, _D), jnp.float32),
            pltpu.VMEM((nci, _D), jnp.float32),
            pltpu.VMEM((bpw, _D), jnp.float32),
            pltpu.SemaphoreType.DMA,
        ],
        compiler_params=pltpu.CompilerParams(use_tc_tiling_on_sc=False),
    )
    def pool(item_idx_hbm, ctx_idx_hbm, item_tab_hbm, ctx_tab_hbm, out_hbm,
             idxi_v, idxc_v, item_rows, ctx_rows, out_v, sem):
        wid = lax.axis_index("s") * info.num_cores + lax.axis_index("c")
        base = wid * bpw
        pltpu.sync_copy(item_idx_hbm.at[wid], idxi_v)
        pltpu.sync_copy(ctx_idx_hbm.at[wid], idxc_v)
        pltpu.async_copy(item_tab_hbm.at[idxi_v], item_rows, sem).wait()
        for g in range(n_gather):
            pltpu.async_copy(
                ctx_tab_hbm.at[idxc_v.at[g]],
                ctx_rows.at[pl.ds(g * _IDX_CHUNK, _IDX_CHUNK)],
                sem,
            ).wait()
        scale = 1.0 / (_C + 1)

        def body(b, carry):
            for k in range(_D // 16):
                acc = item_rows[b, pl.ds(k * 16, 16)]
                for c in range(_C):
                    acc = acc + ctx_rows[b * _C + c, pl.ds(k * 16, 16)]
                out_v[b, pl.ds(k * 16, 16)] = acc * scale
            return carry

        lax.fori_loop(0, bpw, body, 0)
        pltpu.sync_copy(out_v, out_hbm.at[pl.ds(base, bpw)])

    return pool(item_idx2, ctx_idx3, item_table, ctx_table)



def _logits_chunk(x_ref, w_ref, b_ref):
    x16 = x_ref[...].astype(jnp.bfloat16)
    w16 = w_ref[...].astype(jnp.bfloat16)
    return lax.dot_general(
        x16, w16, (((1,), (1,)), ((), ())),
        preferred_element_type=jnp.float32,
    ) + b_ref[...]


def _sumexp_body(v_total, x_ref, w_ref, b_ref, s_ref):
    j = pl.program_id(0)
    logits = _logits_chunk(x_ref, w_ref, b_ref)
    col = j * _VC + lax.broadcasted_iota(jnp.int32, logits.shape, 1)
    e = jnp.where(col < v_total, jnp.exp(logits), 0.0)

    @pl.when(j == 0)
    def _():
        s_ref[...] = jnp.zeros_like(s_ref)

    s_ref[...] += jnp.sum(e, axis=1, keepdims=True)


def _out_body(x_ref, w_ref, b_ref, s_ref, o_ref):
    logits = lax.dot_general(
        x_ref[...], w_ref[...], (((1,), (1,)), ((), ())),
        preferred_element_type=jnp.float32,
    ) + b_ref[...]
    o_ref[...] = logits - jnp.log(s_ref[...])


def _logsoftmax_tc(pooled, W, b):
    B = pooled.shape[0]
    V = W.shape[0]
    n_chunks = pl.cdiv(V, _VC)
    b2 = b.reshape(1, V)

    x_spec = pl.BlockSpec((B, _D), lambda j: (0, 0))
    w_spec = pl.BlockSpec((_VC, _D), lambda j: (j, 0))
    b_spec = pl.BlockSpec((1, _VC), lambda j: (0, j))
    s_spec = pl.BlockSpec((B, 1), lambda j: (0, 0))

    s = pl.pallas_call(
        functools.partial(_sumexp_body, V),
        grid=(n_chunks,),
        in_specs=[x_spec, w_spec, b_spec],
        out_specs=s_spec,
        out_shape=jax.ShapeDtypeStruct((B, 1), jnp.float32),
        compiler_params=pltpu.CompilerParams(
            dimension_semantics=("arbitrary",)),
    )(pooled, W, b2)

    out = pl.pallas_call(
        _out_body,
        grid=(n_chunks,),
        in_specs=[x_spec, w_spec, b_spec, s_spec],
        out_specs=pl.BlockSpec((B, _VC), lambda j: (0, j)),
        out_shape=jax.ShapeDtypeStruct((B, V), jnp.float32),
        compiler_params=pltpu.CompilerParams(
            dimension_semantics=("arbitrary",)),
    )(pooled, W, b2, s)
    return out


def kernel(context_ids, item_id, negative_samples_ids, item_table, ctx_table,
           W, b):
    del negative_samples_ids
    ctx_flat = context_ids.astype(jnp.int32).T.reshape(-1)
    pooled = _pool_sc(item_id.astype(jnp.int32), ctx_flat, item_table,
                      ctx_table)
    return _logsoftmax_tc(pooled, W, b)

# --- scband reference (transcript-rebuilt; emitter-appended) ---
"""Pipeline reference for scband-paragraph2-vec-dm-66090956751429 (READ-ONLY COPY).

The authoritative reference and input builder live on the scoring server;
editing this copy changes nothing except your own understanding.
"""

import jax, jax.numpy as jnp
import numpy as np

EMBED_DIM = 64
TOTAL_ITEMS = 1000000
TOTAL_WORDS = 100000
B = 1024
C = 20
NEG = 5

def setup_inputs(seed: int = 0) -> dict:
    key = jax.random.key(seed)
    k1, k2, k3, k4, k5, k6, k7 = jax.random.split(key, 7)
    context_ids = jax.random.randint(k1, (C, B), 0, TOTAL_WORDS, dtype=jnp.int64 if jax.config.jax_enable_x64 else jnp.int32)
    item_id = jax.random.randint(k2, (B,), 0, TOTAL_ITEMS, dtype=jnp.int64 if jax.config.jax_enable_x64 else jnp.int32)
    negative_samples_ids = jax.random.randint(k3, (B, NEG), 0, TOTAL_WORDS, dtype=jnp.int64 if jax.config.jax_enable_x64 else jnp.int32)
    item_range = (2.0 / (TOTAL_ITEMS + EMBED_DIM)) ** 0.5
    word_range = (2.0 / (TOTAL_WORDS + EMBED_DIM)) ** 0.5
    item_table = jax.random.uniform(k4, (TOTAL_ITEMS, EMBED_DIM), dtype=jnp.float32, minval=-item_range, maxval=item_range)
    ctx_table = jax.random.uniform(k5, (TOTAL_WORDS, EMBED_DIM), dtype=jnp.float32, minval=-word_range, maxval=word_range)
    W = jax.random.normal(k6, (TOTAL_WORDS, EMBED_DIM), dtype=jnp.float32) * (1.0 / np.sqrt(EMBED_DIM))
    b = jnp.zeros((TOTAL_WORDS,), dtype=jnp.float32)
    return {"context_ids": context_ids, "item_id": item_id, "negative_samples_ids": negative_samples_ids, "item_table": item_table, "ctx_table": ctx_table, "W": W, "b": b}

def reference(context_ids, item_id, negative_samples_ids, item_table, ctx_table, W, b):
    # item embedding lookup: [B, D] -> unsqueeze axis 0 -> [1, B, D]
    item_e = jnp.take(item_table, item_id, axis=0)[None, :, :]
    # context embedding lookup on stacked ids [C, B] -> [C, B, D]
    ctx_e = jnp.take(ctx_table, context_ids, axis=0)
    total = jnp.concatenate([item_e, ctx_e], axis=0)  # [C+1, B, D]
    mean_e = jnp.mean(total, axis=0, keepdims=True)   # [1, B, D]
    flat = jnp.reshape(mean_e, (-1, EMBED_DIM))       # [B, D]
    logits = flat @ W.T + b                            # [B, TOTAL_WORDS]
    return jax.nn.log_softmax(logits, axis=-1)

if __name__ == "__main__":
    import jax
    _d = setup_inputs()
    print(jax.jit(kernel)(*tuple(_d.values())))

</pallas_src>

<mosaic_0001>
#map = affine_map<(d0, d1) -> (0, 0)>
#map1 = affine_map<(d0, d1) -> (0, 0, 0)>
module attributes {stable_mosaic.version = 14 : i64} {
  func.func @pool(%arg0: i32, %arg1: i32, %arg2: memref<32x32xi32, #tpu.memory_space<hbm>>, %arg3: memref<32x5x128xi32, #tpu.memory_space<hbm>>, %arg4: memref<1000000x64xf32, #tpu.memory_space<hbm>>, %arg5: memref<100000x64xf32, #tpu.memory_space<hbm>>, %arg6: memref<1024x64xf32, #tpu.memory_space<hbm>>, %arg7: memref<32xi32, #tpu.memory_space<vmem>>, %arg8: memref<5x128xi32, #tpu.memory_space<vmem>>, %arg9: memref<32x64xf32, #tpu.memory_space<vmem>>, %arg10: memref<640x64xf32, #tpu.memory_space<vmem>>, %arg11: memref<32x64xf32, #tpu.memory_space<vmem>>, %arg12: memref<!tpu.dma_semaphore, #tpu.memory_space<semaphore_mem>>) attributes {dimension_semantics = [#tpu.dimension_semantics<core_parallel>, #tpu.dimension_semantics<subcore_parallel>], iteration_bounds = array<i64: 2, 16>, scalar_prefetch = 0 : i64, scratch_operands = 6 : i64, tpu.core_type = #tpu.core_type<sc_vector_subcore>, window_params = [{transform_indices = #map}, {transform_indices = #map1}, {transform_indices = #map}, {transform_indices = #map}, {transform_indices = #map}]} {
    %mul3A = arith.constant 2 : i32
    %mul3A_0 = arith.muli %arg1, %mul3A : i32
    %add3A = arith.addi %mul3A_0, %arg0 : i32
    %mul3A_1 = arith.constant 32 : i32
    %mul3A_2 = arith.muli %add3A, %mul3A_1 : i32
    "tpu.region"() ({
      %run_scoped3A = tpu.sem_alloc : memref<!tpu.dma_semaphore, #tpu.memory_space<semaphore_mem>>
      %dma_start3A_112 = arith.constant 0 : i32
      %dma_start3A_113 = tpu.memref_slice %arg2[%add3A, %dma_start3A_112] : memref<32x32xi32, #tpu.memory_space<hbm>> -> memref<1x32xi32, #tpu.memory_space<hbm>>
      %dma_start3A_114 = tpu.memref_squeeze %dma_start3A_113 : memref<1x32xi32, #tpu.memory_space<hbm>> -> memref<32xi32, #tpu.memory_space<hbm>>
      %dma_start3A_115 = arith.constant 0 : i32
      %dma_start3A_116 = tpu.memref_slice %arg2[%add3A, %dma_start3A_115] : memref<32x32xi32, #tpu.memory_space<hbm>> -> memref<1x32xi32, #tpu.memory_space<hbm>>
      %dma_start3A_117 = tpu.memref_squeeze %dma_start3A_116 : memref<1x32xi32, #tpu.memory_space<hbm>> -> memref<32xi32, #tpu.memory_space<hbm>>
      tpu.enqueue_dma source(%dma_start3A_117 : memref<32xi32, #tpu.memory_space<hbm>>) target(%arg7 : memref<32xi32, #tpu.memory_space<vmem>>) target_semaphore(%run_scoped3A : memref<!tpu.dma_semaphore, #tpu.memory_space<semaphore_mem>>)
      %dma_wait3A_118 = arith.constant 0 : i32
      %dma_wait3A_119 = tpu.memref_slice %arg2[%add3A, %dma_wait3A_118] : memref<32x32xi32, #tpu.memory_space<hbm>> -> memref<1x32xi32, #tpu.memory_space<hbm>>
      %dma_wait3A_120 = tpu.memref_squeeze %dma_wait3A_119 : memref<1x32xi32, #tpu.memory_space<hbm>> -> memref<32xi32, #tpu.memory_space<hbm>>
      %dma_wait3A_121 = arith.constant 0 : i32
      %dma_wait3A_122 = tpu.memref_slice %arg2[%add3A, %dma_wait3A_121] : memref<32x32xi32, #tpu.memory_space<hbm>> -> memref<1x32xi32, #tpu.memory_space<hbm>>
      %dma_wait3A_123 = tpu.memref_squeeze %dma_wait3A_122 : memref<1x32xi32, #tpu.memory_space<hbm>> -> memref<32xi32, #tpu.memory_space<hbm>>
      tpu.wait_dma2 semaphore(%run_scoped3A : memref<!tpu.dma_semaphore, #tpu.memory_space<semaphore_mem>>) src(%dma_wait3A_123 : memref<32xi32, #tpu.memory_space<hbm>>) dst(%arg7 : memref<32xi32, #tpu.memory_space<vmem>>)
      tpu.yield
    }) : () -> ()
    "tpu.region"() ({
      %run_scoped3A = tpu.sem_alloc : memref<!tpu.dma_semaphore, #tpu.memory_space<semaphore_mem>>
      %dma_start3A_112 = arith.constant 0 : i32
      %dma_start3A_113 = arith.constant 0 : i32
      %dma_start3A_114 = tpu.memref_slice %arg3[%add3A, %dma_start3A_112, %dma_start3A_113] : memref<32x5x128xi32, #tpu.memory_space<hbm>> -> memref<1x5x128xi32, #tpu.memory_space<hbm>>
      %dma_start3A_115 = tpu.memref_squeeze %dma_start3A_114 : memref<1x5x128xi32, #tpu.memory_space<hbm>> -> memref<5x128xi32, #tpu.memory_space<hbm>>
      %dma_start3A_116 = arith.constant 0 : i32
      %dma_start3A_117 = arith.constant 0 : i32
      %dma_start3A_118 = tpu.memref_slice %arg3[%add3A, %dma_start3A_116, %dma_start3A_117] : memref<32x5x128xi32, #tpu.memory_space<hbm>> -> memref<1x5x128xi32, #tpu.memory_space<hbm>>
      %dma_start3A_119 = tpu.memref_squeeze %dma_start3A_118 : memref<1x5x128xi32, #tpu.memory_space<hbm>> -> memref<5x128xi32, #tpu.memory_space<hbm>>
      tpu.enqueue_dma source(%dma_start3A_119 : memref<5x128xi32, #tpu.memory_space<hbm>>) target(%arg8 : memref<5x128xi32, #tpu.memory_space<vmem>>) target_semaphore(%run_scoped3A : memref<!tpu.dma_semaphore, #tpu.memory_space<semaphore_mem>>)
      %dma_wait3A_120 = arith.constant 0 : i32
      %dma_wait3A_121 = arith.constant 0 : i32
      %dma_wait3A_122 = tpu.memref_slice %arg3[%add3A, %dma_wait3A_120, %dma_wait3A_121] : memref<32x5x128xi32, #tpu.memory_space<hbm>> -> memref<1x5x128xi32, #tpu.memory_space<hbm>>
      %dma_wait3A_123 = tpu.memref_squeeze %dma_wait3A_122 : memref<1x5x128xi32, #tpu.memory_space<hbm>> -> memref<5x128xi32, #tpu.memory_space<hbm>>
      %dma_wait3A_124 = arith.constant 0 : i32
      %dma_wait3A_125 = arith.constant 0 : i32
      %dma_wait3A_126 = tpu.memref_slice %arg3[%add3A, %dma_wait3A_124, %dma_wait3A_125] : memref<32x5x128xi32, #tpu.memory_space<hbm>> -> memref<1x5x128xi32, #tpu.memory_space<hbm>>
      %dma_wait3A_127 = tpu.memref_squeeze %dma_wait3A_126 : memref<1x5x128xi32, #tpu.memory_space<hbm>> -> memref<5x128xi32, #tpu.memory_space<hbm>>
      tpu.wait_dma2 semaphore(%run_scoped3A : memref<!tpu.dma_semaphore, #tpu.memory_space<semaphore_mem>>) src(%dma_wait3A_127 : memref<5x128xi32, #tpu.memory_space<hbm>>) dst(%arg8 : memref<5x128xi32, #tpu.memory_space<vmem>>)
      tpu.yield
    }) : () -> ()
    %dma_start3A = arith.constant 0 : i32
    %dma_start3A_3 = arith.constant 0 : i32
    %dma_start3A_4 = tpu.memref_slice %arg4[%dma_start3A, %dma_start3A_3] : memref<1000000x64xf32, #tpu.memory_space<hbm>> -> memref<1000000x64xf32, #tpu.memory_space<hbm>>
    tpu.enqueue_indirect_dma source(%dma_start3A_4 : memref<1000000x64xf32, #tpu.memory_space<hbm>>) target(%arg9 : memref<32x64xf32, #tpu.memory_space<vmem>>) offsets(%arg7 : memref<32xi32, #tpu.memory_space<vmem>>) semaphore(%arg12 : memref<!tpu.dma_semaphore, #tpu.memory_space<semaphore_mem>>)
    %dma_wait3A = arith.constant 0 : i32
    %dma_wait3A_5 = arith.constant 0 : i32
    %dma_wait3A_6 = tpu.memref_slice %arg4[%dma_wait3A, %dma_wait3A_5] : memref<1000000x64xf32, #tpu.memory_space<hbm>> -> memref<1000000x64xf32, #tpu.memory_space<hbm>>
    tpu.wait_indirect_dma semaphore(%arg12 : memref<!tpu.dma_semaphore, #tpu.memory_space<semaphore_mem>>) src(%dma_wait3A_6 : memref<1000000x64xf32, #tpu.memory_space<hbm>>) dst(%arg9 : memref<32x64xf32, #tpu.memory_space<vmem>>)
    %dma_start3A_7 = arith.constant 0 : i32
    %dma_start3A_8 = arith.constant 0 : i32
    %dma_start3A_9 = arith.constant 0 : i32
    %dma_start3A_10 = tpu.memref_slice %arg10[%dma_start3A_8, %dma_start3A_9] : memref<640x64xf32, #tpu.memory_space<vmem>> -> memref<128x64xf32, #tpu.memory_space<vmem>>
    %dma_start3A_11 = arith.constant 0 : i32
    %dma_start3A_12 = tpu.memref_slice %arg8[%dma_start3A_7, %dma_start3A_11] : memref<5x128xi32, #tpu.memory_space<vmem>> -> memref<1x128xi32, #tpu.memory_space<vmem>>
    %dma_start3A_13 = tpu.memref_squeeze %dma_start3A_12 : memref<1x128xi32, #tpu.memory_space<vmem>> -> memref<128xi32, #tpu.memory_space<vmem>>
    %dma_start3A_14 = arith.constant 0 : i32
    %dma_start3A_15 = arith.constant 0 : i32
    %dma_start3A_16 = tpu.memref_slice %arg5[%dma_start3A_14, %dma_start3A_15] : memref<100000x64xf32, #tpu.memory_space<hbm>> -> memref<100000x64xf32, #tpu.memory_space<hbm>>
    tpu.enqueue_indirect_dma source(%dma_start3A_16 : memref<100000x64xf32, #tpu.memory_space<hbm>>) target(%dma_start3A_10 : memref<128x64xf32, #tpu.memory_space<vmem>>) offsets(%dma_start3A_13 : memref<128xi32, #tpu.memory_space<vmem>>) semaphore(%arg12 : memref<!tpu.dma_semaphore, #tpu.memory_space<semaphore_mem>>)
    %dma_wait3A_17 = arith.constant 0 : i32
    %dma_wait3A_18 = arith.constant 0 : i32
    %dma_wait3A_19 = arith.constant 0 : i32
    %dma_wait3A_20 = tpu.memref_slice %arg10[%dma_wait3A_18, %dma_wait3A_19] : memref<640x64xf32, #tpu.memory_space<vmem>> -> memref<128x64xf32, #tpu.memory_space<vmem>>
    %dma_wait3A_21 = arith.constant 0 : i32
    %dma_wait3A_22 = tpu.memref_slice %arg8[%dma_wait3A_17, %dma_wait3A_21] : memref<5x128xi32, #tpu.memory_space<vmem>> -> memref<1x128xi32, #tpu.memory_space<vmem>>
    %dma_wait3A_23 = tpu.memref_squeeze %dma_wait3A_22 : memref<1x128xi32, #tpu.memory_space<vmem>> -> memref<128xi32, #tpu.memory_space<vmem>>
    %dma_wait3A_24 = arith.constant 0 : i32
    %dma_wait3A_25 = arith.constant 0 : i32
    %dma_wait3A_26 = tpu.memref_slice %arg5[%dma_wait3A_24, %dma_wait3A_25] : memref<100000x64xf32, #tpu.memory_space<hbm>> -> memref<100000x64xf32, #tpu.memory_space<hbm>>
    tpu.wait_indirect_dma semaphore(%arg12 : memref<!tpu.dma_semaphore, #tpu.memory_space<semaphore_mem>>) src(%dma_wait3A_26 : memref<100000x64xf32, #tpu.memory_space<hbm>>) dst(%dma_wait3A_20 : memref<128x64xf32, #tpu.memory_space<vmem>>)
    %dma_start3A_27 = arith.constant 1 : i32
    %dma_start3A_28 = arith.constant 128 : i32
    %dma_start3A_29 = arith.constant 0 : i32
    %dma_start3A_30 = tpu.memref_slice %arg10[%dma_start3A_28, %dma_start3A_29] : memref<640x64xf32, #tpu.memory_space<vmem>> -> memref<128x64xf32, #tpu.memory_space<vmem>>
    %dma_start3A_31 = arith.constant 0 : i32
    %dma_start3A_32 = tpu.memref_slice %arg8[%dma_start3A_27, %dma_start3A_31] : memref<5x128xi32, #tpu.memory_space<vmem>> -> memref<1x128xi32, #tpu.memory_space<vmem>>
    %dma_start3A_33 = tpu.memref_squeeze %dma_start3A_32 : memref<1x128xi32, #tpu.memory_space<vmem>> -> memref<128xi32, #tpu.memory_space<vmem>>
    %dma_start3A_34 = arith.constant 0 : i32
    %dma_start3A_35 = arith.constant 0 : i32
    %dma_start3A_36 = tpu.memref_slice %arg5[%dma_start3A_34, %dma_start3A_35] : memref<100000x64xf32, #tpu.memory_space<hbm>> -> memref<100000x64xf32, #tpu.memory_space<hbm>>
    tpu.enqueue_indirect_dma source(%dma_start3A_36 : memref<100000x64xf32, #tpu.memory_space<hbm>>) target(%dma_start3A_30 : memref<128x64xf32, #tpu.memory_space<vmem>>) offsets(%dma_start3A_33 : memref<128xi32, #tpu.memory_space<vmem>>) semaphore(%arg12 : memref<!tpu.dma_semaphore, #tpu.memory_space<semaphore_mem>>)
    %dma_wait3A_37 = arith.constant 1 : i32
    %dma_wait3A_38 = arith.constant 128 : i32
    %dma_wait3A_39 = arith.constant 0 : i32
    %dma_wait3A_40 = tpu.memref_slice %arg10[%dma_wait3A_38, %dma_wait3A_39] : memref<640x64xf32, #tpu.memory_space<vmem>> -> memref<128x64xf32, #tpu.memory_space<vmem>>
    %dma_wait3A_41 = arith.constant 0 : i32
    %dma_wait3A_42 = tpu.memref_slice %arg8[%dma_wait3A_37, %dma_wait3A_41] : memref<5x128xi32, #tpu.memory_space<vmem>> -> memref<1x128xi32, #tpu.memory_space<vmem>>
    %dma_wait3A_43 = tpu.memref_squeeze %dma_wait3A_42 : memref<1x128xi32, #tpu.memory_space<vmem>> -> memref<128xi32, #tpu.memory_space<vmem>>
    %dma_wait3A_44 = arith.constant 0 : i32
    %dma_wait3A_45 = arith.constant 0 : i32
    %dma_wait3A_46 = tpu.memref_slice %arg5[%dma_wait3A_44, %dma_wait3A_45] : memref<100000x64xf32, #tpu.memory_space<hbm>> -> memref<100000x64xf32, #tpu.memory_space<hbm>>
    tpu.wait_indirect_dma semaphore(%arg12 : memref<!tpu.dma_semaphore, #tpu.memory_space<semaphore_mem>>) src(%dma_wait3A_46 : memref<100000x64xf32, #tpu.memory_space<hbm>>) dst(%dma_wait3A_40 : memref<128x64xf32, #tpu.memory_space<vmem>>)
    %dma_start3A_47 = arith.constant 2 : i32
    %dma_start3A_48 = arith.constant 256 : i32
    %dma_start3A_49 = arith.constant 0 : i32
    %dma_start3A_50 = tpu.memref_slice %arg10[%dma_start3A_48, %dma_start3A_49] : memref<640x64xf32, #tpu.memory_space<vmem>> -> memref<128x64xf32, #tpu.memory_space<vmem>>
    %dma_start3A_51 = arith.constant 0 : i32
    %dma_start3A_52 = tpu.memref_slice %arg8[%dma_start3A_47, %dma_start3A_51] : memref<5x128xi32, #tpu.memory_space<vmem>> -> memref<1x128xi32, #tpu.memory_space<vmem>>
    %dma_start3A_53 = tpu.memref_squeeze %dma_start3A_52 : memref<1x128xi32, #tpu.memory_space<vmem>> -> memref<128xi32, #tpu.memory_space<vmem>>
    %dma_start3A_54 = arith.constant 0 : i32
    %dma_start3A_55 = arith.constant 0 : i32
    %dma_start3A_56 = tpu.memref_slice %arg5[%dma_start3A_54, %dma_start3A_55] : memref<100000x64xf32, #tpu.memory_space<hbm>> -> memref<100000x64xf32, #tpu.memory_space<hbm>>
    tpu.enqueue_indirect_dma source(%dma_start3A_56 : memref<100000x64xf32, #tpu.memory_space<hbm>>) target(%dma_start3A_50 : memref<128x64xf32, #tpu.memory_space<vmem>>) offsets(%dma_start3A_53 : memref<128xi32, #tpu.memory_space<vmem>>) semaphore(%arg12 : memref<!tpu.dma_semaphore, #tpu.memory_space<semaphore_mem>>)
    %dma_wait3A_57 = arith.constant 2 : i32
    %dma_wait3A_58 = arith.constant 256 : i32
    %dma_wait3A_59 = arith.constant 0 : i32
    %dma_wait3A_60 = tpu.memref_slice %arg10[%dma_wait3A_58, %dma_wait3A_59] : memref<640x64xf32, #tpu.memory_space<vmem>> -> memref<128x64xf32, #tpu.memory_space<vmem>>
    %dma_wait3A_61 = arith.constant 0 : i32
    %dma_wait3A_62 = tpu.memref_slice %arg8[%dma_wait3A_57, %dma_wait3A_61] : memref<5x128xi32, #tpu.memory_space<vmem>> -> memref<1x128xi32, #tpu.memory_space<vmem>>
    %dma_wait3A_63 = tpu.memref_squeeze %dma_wait3A_62 : memref<1x128xi32, #tpu.memory_space<vmem>> -> memref<128xi32, #tpu.memory_space<vmem>>
    %dma_wait3A_64 = arith.constant 0 : i32
    %dma_wait3A_65 = arith.constant 0 : i32
    %dma_wait3A_66 = tpu.memref_slice %arg5[%dma_wait3A_64, %dma_wait3A_65] : memref<100000x64xf32, #tpu.memory_space<hbm>> -> memref<100000x64xf32, #tpu.memory_space<hbm>>
    tpu.wait_indirect_dma semaphore(%arg12 : memref<!tpu.dma_semaphore, #tpu.memory_space<semaphore_mem>>) src(%dma_wait3A_66 : memref<100000x64xf32, #tpu.memory_space<hbm>>) dst(%dma_wait3A_60 : memref<128x64xf32, #tpu.memory_space<vmem>>)
    %dma_start3A_67 = arith.constant 3 : i32
    %dma_start3A_68 = arith.constant 384 : i32
    %dma_start3A_69 = arith.constant 0 : i32
    %dma_start3A_70 = tpu.memref_slice %arg10[%dma_start3A_68, %dma_start3A_69] : memref<640x64xf32, #tpu.memory_space<vmem>> -> memref<128x64xf32, #tpu.memory_space<vmem>>
    %dma_start3A_71 = arith.constant 0 : i32
    %dma_start3A_72 = tpu.memref_slice %arg8[%dma_start3A_67, %dma_start3A_71] : memref<5x128xi32, #tpu.memory_space<vmem>> -> memref<1x128xi32, #tpu.memory_space<vmem>>
    %dma_start3A_73 = tpu.memref_squeeze %dma_start3A_72 : memref<1x128xi32, #tpu.memory_space<vmem>> -> memref<128xi32, #tpu.memory_space<vmem>>
    %dma_start3A_74 = arith.constant 0 : i32
    %dma_start3A_75 = arith.constant 0 : i32
    %dma_start3A_76 = tpu.memref_slice %arg5[%dma_start3A_74, %dma_start3A_75] : memref<100000x64xf32, #tpu.memory_space<hbm>> -> memref<100000x64xf32, #tpu.memory_space<hbm>>
    tpu.enqueue_indirect_dma source(%dma_start3A_76 : memref<100000x64xf32, #tpu.memory_space<hbm>>) target(%dma_start3A_70 : memref<128x64xf32, #tpu.memory_space<vmem>>) offsets(%dma_start3A_73 : memref<128xi32, #tpu.memory_space<vmem>>) semaphore(%arg12 : memref<!tpu.dma_semaphore, #tpu.memory_space<semaphore_mem>>)
    %dma_wait3A_77 = arith.constant 3 : i32
    %dma_wait3A_78 = arith.constant 384 : i32
    %dma_wait3A_79 = arith.constant 0 : i32
    %dma_wait3A_80 = tpu.memref_slice %arg10[%dma_wait3A_78, %dma_wait3A_79] : memref<640x64xf32, #tpu.memory_space<vmem>> -> memref<128x64xf32, #tpu.memory_space<vmem>>
    %dma_wait3A_81 = arith.constant 0 : i32
    %dma_wait3A_82 = tpu.memref_slice %arg8[%dma_wait3A_77, %dma_wait3A_81] : memref<5x128xi32, #tpu.memory_space<vmem>> -> memref<1x128xi32, #tpu.memory_space<vmem>>
    %dma_wait3A_83 = tpu.memref_squeeze %dma_wait3A_82 : memref<1x128xi32, #tpu.memory_space<vmem>> -> memref<128xi32, #tpu.memory_space<vmem>>
    %dma_wait3A_84 = arith.constant 0 : i32
    %dma_wait3A_85 = arith.constant 0 : i32
    %dma_wait3A_86 = tpu.memref_slice %arg5[%dma_wait3A_84, %dma_wait3A_85] : memref<100000x64xf32, #tpu.memory_space<hbm>> -> memref<100000x64xf32, #tpu.memory_space<hbm>>
    tpu.wait_indirect_dma semaphore(%arg12 : memref<!tpu.dma_semaphore, #tpu.memory_space<semaphore_mem>>) src(%dma_wait3A_86 : memref<100000x64xf32, #tpu.memory_space<hbm>>) dst(%dma_wait3A_80 : memref<128x64xf32, #tpu.memory_space<vmem>>)
    %dma_start3A_87 = arith.constant 4 : i32
    %dma_start3A_88 = arith.constant 512 : i32
    %dma_start3A_89 = arith.constant 0 : i32
    %dma_start3A_90 = tpu.memref_slice %arg10[%dma_start3A_88, %dma_start3A_89] : memref<640x64xf32, #tpu.memory_space<vmem>> -> memref<128x64xf32, #tpu.memory_space<vmem>>
    %dma_start3A_91 = arith.constant 0 : i32
    %dma_start3A_92 = tpu.memref_slice %arg8[%dma_start3A_87, %dma_start3A_91] : memref<5x128xi32, #tpu.memory_space<vmem>> -> memref<1x128xi32, #tpu.memory_space<vmem>>
    %dma_start3A_93 = tpu.memref_squeeze %dma_start3A_92 : memref<1x128xi32, #tpu.memory_space<vmem>> -> memref<128xi32, #tpu.memory_space<vmem>>
    %dma_start3A_94 = arith.constant 0 : i32
    %dma_start3A_95 = arith.constant 0 : i32
    %dma_start3A_96 = tpu.memref_slice %arg5[%dma_start3A_94, %dma_start3A_95] : memref<100000x64xf32, #tpu.memory_space<hbm>> -> memref<100000x64xf32, #tpu.memory_space<hbm>>
    tpu.enqueue_indirect_dma source(%dma_start3A_96 : memref<100000x64xf32, #tpu.memory_space<hbm>>) target(%dma_start3A_90 : memref<128x64xf32, #tpu.memory_space<vmem>>) offsets(%dma_start3A_93 : memref<128xi32, #tpu.memory_space<vmem>>) semaphore(%arg12 : memref<!tpu.dma_semaphore, #tpu.memory_space<semaphore_mem>>)
    %dma_wait3A_97 = arith.constant 4 : i32
    %dma_wait3A_98 = arith.constant 512 : i32
    %dma_wait3A_99 = arith.constant 0 : i32
    %dma_wait3A_100 = tpu.memref_slice %arg10[%dma_wait3A_98, %dma_wait3A_99] : memref<640x64xf32, #tpu.memory_space<vmem>> -> memref<128x64xf32, #tpu.memory_space<vmem>>
    %dma_wait3A_101 = arith.constant 0 : i32
    %dma_wait3A_102 = tpu.memref_slice %arg8[%dma_wait3A_97, %dma_wait3A_101] : memref<5x128xi32, #tpu.memory_space<vmem>> -> memref<1x128xi32, #tpu.memory_space<vmem>>
    %dma_wait3A_103 = tpu.memref_squeeze %dma_wait3A_102 : memref<1x128xi32, #tpu.memory_space<vmem>> -> memref<128xi32, #tpu.memory_space<vmem>>
    %dma_wait3A_104 = arith.constant 0 : i32
    %dma_wait3A_105 = arith.constant 0 : i32
    %dma_wait3A_106 = tpu.memref_slice %arg5[%dma_wait3A_104, %dma_wait3A_105] : memref<100000x64xf32, #tpu.memory_space<hbm>> -> memref<100000x64xf32, #tpu.memory_space<hbm>>
    tpu.wait_indirect_dma semaphore(%arg12 : memref<!tpu.dma_semaphore, #tpu.memory_space<semaphore_mem>>) src(%dma_wait3A_106 : memref<100000x64xf32, #tpu.memory_space<hbm>>) dst(%dma_wait3A_100 : memref<128x64xf32, #tpu.memory_space<vmem>>)
    %scan3A = arith.constant 0 : i32
    %scan3A_107 = arith.constant 0 : i32
    %scan3A_108 = arith.constant 32 : i32
    %scan3A_109 = arith.addi %scan3A_107, %scan3A_108 : i32
    %scan3A_110 = arith.constant 1 : i32
    scf.for %scan3A_112 = %scan3A_107 to %scan3A_109 step %scan3A_110  : i32 {
      %get3A = arith.index_cast %scan3A_112 : i32 to index
      %get3A_113 = arith.constant 0 : index
      %get3A_114 = tpu.vector_load %arg9[%get3A, %get3A_113] {strides = array<i32>} : memref<32x64xf32, #tpu.memory_space<vmem>>, vector<1x16xf32>,
      %get3A_115 = vector.shape_cast %get3A_114 : vector<1x16xf32> to vector<16xf32>
      %mul3A_116 = arith.constant 20 : i32
      %mul3A_117 = arith.muli %scan3A_112, %mul3A_116 : i32
      %add3A_118 = arith.constant 0 : i32
      %add3A_119 = arith.addi %mul3A_117, %add3A_118 : i32
      %get3A_120 = arith.index_cast %add3A_119 : i32 to index
      %get3A_121 = arith.constant 0 : index
      %get3A_122 = tpu.vector_load %arg10[%get3A_120, %get3A_121] {strides = array<i32>} : memref<640x64xf32, #tpu.memory_space<vmem>>, vector<1x16xf32>,
      %get3A_123 = vector.shape_cast %get3A_122 : vector<1x16xf32> to vector<16xf32>
      %add3A_124 = arith.addf %get3A_115, %get3A_123 : vector<16xf32>
      %mul3A_125 = arith.constant 20 : i32
      %mul3A_126 = arith.muli %scan3A_112, %mul3A_125 : i32
      %add3A_127 = arith.constant 1 : i32
      %add3A_128 = arith.addi %mul3A_126, %add3A_127 : i32
      %get3A_129 = arith.index_cast %add3A_128 : i32 to index
      %get3A_130 = arith.constant 0 : index
      %get3A_131 = tpu.vector_load %arg10[%get3A_129, %get3A_130] {strides = array<i32>} : memref<640x64xf32, #tpu.memory_space<vmem>>, vector<1x16xf32>,
      %get3A_132 = vector.shape_cast %get3A_131 : vector<1x16xf32> to vector<16xf32>
      %add3A_133 = arith.addf %add3A_124, %get3A_132 : vector<16xf32>
      %mul3A_134 = arith.constant 20 : i32
      %mul3A_135 = arith.muli %scan3A_112, %mul3A_134 : i32
      %add3A_136 = arith.constant 2 : i32
      %add3A_137 = arith.addi %mul3A_135, %add3A_136 : i32
      %get3A_138 = arith.index_cast %add3A_137 : i32 to index
      %get3A_139 = arith.constant 0 : index
      %get3A_140 = tpu.vector_load %arg10[%get3A_138, %get3A_139] {strides = array<i32>} : memref<640x64xf32, #tpu.memory_space<vmem>>, vector<1x16xf32>,
      %get3A_141 = vector.shape_cast %get3A_140 : vector<1x16xf32> to vector<16xf32>
      %add3A_142 = arith.addf %add3A_133, %get3A_141 : vector<16xf32>
      %mul3A_143 = arith.constant 20 : i32
      %mul3A_144 = arith.muli %scan3A_112, %mul3A_143 : i32
      %add3A_145 = arith.constant 3 : i32
      %add3A_146 = arith.addi %mul3A_144, %add3A_145 : i32
      %get3A_147 = arith.index_cast %add3A_146 : i32 to index
      %get3A_148 = arith.constant 0 : index
      %get3A_149 = tpu.vector_load %arg10[%get3A_147, %get3A_148] {strides = array<i32>} : memref<640x64xf32, #tpu.memory_space<vmem>>, vector<1x16xf32>,
      %get3A_150 = vector.shape_cast %get3A_149 : vector<1x16xf32> to vector<16xf32>
      %add3A_151 = arith.addf %add3A_142, %get3A_150 : vector<16xf32>
      %mul3A_152 = arith.constant 20 : i32
      %mul3A_153 = arith.muli %scan3A_112, %mul3A_152 : i32
      %add3A_154 = arith.constant 4 : i32
      %add3A_155 = arith.addi %mul3A_153, %add3A_154 : i32
      %get3A_156 = arith.index_cast %add3A_155 : i32 to index
      %get3A_157 = arith.constant 0 : index
      %get3A_158 = tpu.vector_load %arg10[%get3A_156, %get3A_157] {strides = array<i32>} : memref<640x64xf32, #tpu.memory_space<vmem>>, vector<1x16xf32>,
      %get3A_159 = vector.shape_cast %get3A_158 : vector<1x16xf32> to vector<16xf32>
      %add3A_160 = arith.addf %add3A_151, %get3A_159 : vector<16xf32>
      %mul3A_161 = arith.constant 20 : i32
      %mul3A_162 = arith.muli %scan3A_112, %mul3A_161 : i32
      %add3A_163 = arith.constant 5 : i32
      %add3A_164 = arith.addi %mul3A_162, %add3A_163 : i32
      %get3A_165 = arith.index_cast %add3A_164 : i32 to index
      %get3A_166 = arith.constant 0 : index
      %get3A_167 = tpu.vector_load %arg10[%get3A_165, %get3A_166] {strides = array<i32>} : memref<640x64xf32, #tpu.memory_space<vmem>>, vector<1x16xf32>,
      %get3A_168 = vector.shape_cast %get3A_167 : vector<1x16xf32> to vector<16xf32>
      %add3A_169 = arith.addf %add3A_160, %get3A_168 : vector<16xf32>
      %mul3A_170 = arith.constant 20 : i32
      %mul3A_171 = arith.muli %scan3A_112, %mul3A_170 : i32
      %add3A_172 = arith.constant 6 : i32
      %add3A_173 = arith.addi %mul3A_171, %add3A_172 : i32
      %get3A_174 = arith.index_cast %add3A_173 : i32 to index
      %get3A_175 = arith.constant 0 : index
      %get3A_176 = tpu.vector_load %arg10[%get3A_174, %get3A_175] {strides = array<i32>} : memref<640x64xf32, #tpu.memory_space<vmem>>, vector<1x16xf32>,
      %get3A_177 = vector.shape_cast %get3A_176 : vector<1x16xf32> to vector<16xf32>
      %add3A_178 = arith.addf %add3A_169, %get3A_177 : vector<16xf32>
      %mul3A_179 = arith.constant 20 : i32
      %mul3A_180 = arith.muli %scan3A_112, %mul3A_179 : i32
      %add3A_181 = arith.constant 7 : i32
      %add3A_182 = arith.addi %mul3A_180, %add3A_181 : i32
      %get3A_183 = arith.index_cast %add3A_182 : i32 to index
      %get3A_184 = arith.constant 0 : index
      %get3A_185 = tpu.vector_load %arg10[%get3A_183, %get3A_184] {strides = array<i32>} : memref<640x64xf32, #tpu.memory_space<vmem>>, vector<1x16xf32>,
      %get3A_186 = vector.shape_cast %get3A_185 : vector<1x16xf32> to vector<16xf32>
      %add3A_187 = arith.addf %add3A_178, %get3A_186 : vector<16xf32>
      %mul3A_188 = arith.constant 20 : i32
      %mul3A_189 = arith.muli %scan3A_112, %mul3A_188 : i32
      %add3A_190 = arith.constant 8 : i32
      %add3A_191 = arith.addi %mul3A_189, %add3A_190 : i32
      %get3A_192 = arith.index_cast %add3A_191 : i32 to index
      %get3A_193 = arith.constant 0 : index
      %get3A_194 = tpu.vector_load %arg10[%get3A_192, %get3A_193] {strides = array<i32>} : memref<640x64xf32, #tpu.memory_space<vmem>>, vector<1x16xf32>,
      %get3A_195 = vector.shape_cast %get3A_194 : vector<1x16xf32> to vector<16xf32>
      %add3A_196 = arith.addf %add3A_187, %get3A_195 : vector<16xf32>
      %mul3A_197 = arith.constant 20 : i32
      %mul3A_198 = arith.muli %scan3A_112, %mul3A_197 : i32
      %add3A_199 = arith.constant 9 : i32
      %add3A_200 = arith.addi %mul3A_198, %add3A_199 : i32
      %get3A_201 = arith.index_cast %add3A_200 : i32 to index
      %get3A_202 = arith.constant 0 : index
      %get3A_203 = tpu.vector_load %arg10[%get3A_201, %get3A_202] {strides = array<i32>} : memref<640x64xf32, #tpu.memory_space<vmem>>, vector<1x16xf32>,
      %get3A_204 = vector.shape_cast %get3A_203 : vector<1x16xf32> to vector<16xf32>
      %add3A_205 = arith.addf %add3A_196, %get3A_204 : vector<16xf32>
      %mul3A_206 = arith.constant 20 : i32
      %mul3A_207 = arith.muli %scan3A_112, %mul3A_206 : i32
      %add3A_208 = arith.constant 10 : i32
      %add3A_209 = arith.addi %mul3A_207, %add3A_208 : i32
      %get3A_210 = arith.index_cast %add3A_209 : i32 to index
      %get3A_211 = arith.constant 0 : index
      %get3A_212 = tpu.vector_load %arg10[%get3A_210, %get3A_211] {strides = array<i32>} : memref<640x64xf32, #tpu.memory_space<vmem>>, vector<1x16xf32>,
      %get3A_213 = vector.shape_cast %get3A_212 : vector<1x16xf32> to vector<16xf32>
      %add3A_214 = arith.addf %add3A_205, %get3A_213 : vector<16xf32>
      %mul3A_215 = arith.constant 20 : i32
      %mul3A_216 = arith.muli %scan3A_112, %mul3A_215 : i32
      %add3A_217 = arith.constant 11 : i32
      %add3A_218 = arith.addi %mul3A_216, %add3A_217 : i32
      %get3A_219 = arith.index_cast %add3A_218 : i32 to index
      %get3A_220 = arith.constant 0 : index
      %get3A_221 = tpu.vector_load %arg10[%get3A_219, %get3A_220] {strides = array<i32>} : memref<640x64xf32, #tpu.memory_space<vmem>>, vector<1x16xf32>,
      %get3A_222 = vector.shape_cast %get3A_221 : vector<1x16xf32> to vector<16xf32>
      %add3A_223 = arith.addf %add3A_214, %get3A_222 : vector<16xf32>
      %mul3A_224 = arith.constant 20 : i32
      %mul3A_225 = arith.muli %scan3A_112, %mul3A_224 : i32
      %add3A_226 = arith.constant 12 : i32
      %add3A_227 = arith.addi %mul3A_225, %add3A_226 : i32
      %get3A_228 = arith.index_cast %add3A_227 : i32 to index
      %get3A_229 = arith.constant 0 : index
      %get3A_230 = tpu.vector_load %arg10[%get3A_228, %get3A_229] {strides = array<i32>} : memref<640x64xf32, #tpu.memory_space<vmem>>, vector<1x16xf32>,
      %get3A_231 = vector.shape_cast %get3A_230 : vector<1x16xf32> to vector<16xf32>
      %add3A_232 = arith.addf %add3A_223, %get3A_231 : vector<16xf32>
      %mul3A_233 = arith.constant 20 : i32
      %mul3A_234 = arith.muli %scan3A_112, %mul3A_233 : i32
      %add3A_235 = arith.constant 13 : i32
      %add3A_236 = arith.addi %mul3A_234, %add3A_235 : i32
      %get3A_237 = arith.index_cast %add3A_236 : i32 to index
      %get3A_238 = arith.constant 0 : index
      %get3A_239 = tpu.vector_load %arg10[%get3A_237, %get3A_238] {strides = array<i32>} : memref<640x64xf32, #tpu.memory_space<vmem>>, vector<1x16xf32>,
      %get3A_240 = vector.shape_cast %get3A_239 : vector<1x16xf32> to vector<16xf32>
      %add3A_241 = arith.addf %add3A_232, %get3A_240 : vector<16xf32>
      %mul3A_242 = arith.constant 20 : i32
      %mul3A_243 = arith.muli %scan3A_112, %mul3A_242 : i32
      %add3A_244 = arith.constant 14 : i32
      %add3A_245 = arith.addi %mul3A_243, %add3A_244 : i32
      %get3A_246 = arith.index_cast %add3A_245 : i32 to index
      %get3A_247 = arith.constant 0 : index
      %get3A_248 = tpu.vector_load %arg10[%get3A_246, %get3A_247] {strides = array<i32>} : memref<640x64xf32, #tpu.memory_space<vmem>>, vector<1x16xf32>,
      %get3A_249 = vector.shape_cast %get3A_248 : vector<1x16xf32> to vector<16xf32>
      %add3A_250 = arith.addf %add3A_241, %get3A_249 : vector<16xf32>
      %mul3A_251 = arith.constant 20 : i32
      %mul3A_252 = arith.muli %scan3A_112, %mul3A_251 : i32
      %add3A_253 = arith.constant 15 : i32
      %add3A_254 = arith.addi %mul3A_252, %add3A_253 : i32
      %get3A_255 = arith.index_cast %add3A_254 : i32 to index
      %get3A_256 = arith.constant 0 : index
      %get3A_257 = tpu.vector_load %arg10[%get3A_255, %get3A_256] {strides = array<i32>} : memref<640x64xf32, #tpu.memory_space<vmem>>, vector<1x16xf32>,
      %get3A_258 = vector.shape_cast %get3A_257 : vector<1x16xf32> to vector<16xf32>
      %add3A_259 = arith.addf %add3A_250, %get3A_258 : vector<16xf32>
      %mul3A_260 = arith.constant 20 : i32
      %mul3A_261 = arith.muli %scan3A_112, %mul3A_260 : i32
      %add3A_262 = arith.constant 16 : i32
      %add3A_263 = arith.addi %mul3A_261, %add3A_262 : i32
      %get3A_264 = arith.index_cast %add3A_263 : i32 to index
      %get3A_265 = arith.constant 0 : index
      %get3A_266 = tpu.vector_load %arg10[%get3A_264, %get3A_265] {strides = array<i32>} : memref<640x64xf32, #tpu.memory_space<vmem>>, vector<1x16xf32>,
      %get3A_267 = vector.shape_cast %get3A_266 : vector<1x16xf32> to vector<16xf32>
      %add3A_268 = arith.addf %add3A_259, %get3A_267 : vector<16xf32>
      %mul3A_269 = arith.constant 20 : i32
      %mul3A_270 = arith.muli %scan3A_112, %mul3A_269 : i32
      %add3A_271 = arith.constant 17 : i32
      %add3A_272 = arith.addi %mul3A_270, %add3A_271 : i32
      %get3A_273 = arith.index_cast %add3A_272 : i32 to index
      %get3A_274 = arith.constant 0 : index
      %get3A_275 = tpu.vector_load %arg10[%get3A_273, %get3A_274] {strides = array<i32>} : memref<640x64xf32, #tpu.memory_space<vmem>>, vector<1x16xf32>,
      %get3A_276 = vector.shape_cast %get3A_275 : vector<1x16xf32> to vector<16xf32>
      %add3A_277 = arith.addf %add3A_268, %get3A_276 : vector<16xf32>
      %mul3A_278 = arith.constant 20 : i32
      %mul3A_279 = arith.muli %scan3A_112, %mul3A_278 : i32
      %add3A_280 = arith.constant 18 : i32
      %add3A_281 = arith.addi %mul3A_279, %add3A_280 : i32
      %get3A_282 = arith.index_cast %add3A_281 : i32 to index
      %get3A_283 = arith.constant 0 : index
      %get3A_284 = tpu.vector_load %arg10[%get3A_282, %get3A_283] {strides = array<i32>} : memref<640x64xf32, #tpu.memory_space<vmem>>, vector<1x16xf32>,
      %get3A_285 = vector.shape_cast %get3A_284 : vector<1x16xf32> to vector<16xf32>
      %add3A_286 = arith.addf %add3A_277, %get3A_285 : vector<16xf32>
      %mul3A_287 = arith.constant 20 : i32
      %mul3A_288 = arith.muli %scan3A_112, %mul3A_287 : i32
      %add3A_289 = arith.constant 19 : i32
      %add3A_290 = arith.addi %mul3A_288, %add3A_289 : i32
      %get3A_291 = arith.index_cast %add3A_290 : i32 to index
      %get3A_292 = arith.constant 0 : index
      %get3A_293 = tpu.vector_load %arg10[%get3A_291, %get3A_292] {strides = array<i32>} : memref<640x64xf32, #tpu.memory_space<vmem>>, vector<1x16xf32>,
      %get3A_294 = vector.shape_cast %get3A_293 : vector<1x16xf32> to vector<16xf32>
      %add3A_295 = arith.addf %add3A_286, %get3A_294 : vector<16xf32>
      %mul3A_296 = arith.constant 0.0476190485 : f32
      %mul3A_297 = vector.broadcast %mul3A_296 : f32 to vector<16xf32>
      %mul3A_298 = arith.mulf %add3A_295, %mul3A_297 : vector<16xf32>
      %swap3A = arith.index_cast %scan3A_112 : i32 to index
      %swap3A_299 = arith.constant 0 : index
      %swap3A_300 = tpu.vector_load %arg11[%swap3A, %swap3A_299] {strides = array<i32>} : memref<32x64xf32, #tpu.memory_space<vmem>>, vector<1x16xf32>,
      %swap3A_301 = vector.shape_cast %swap3A_300 : vector<1x16xf32> to vector<16xf32>
      %swap3A_302 = vector.shape_cast %mul3A_298 : vector<16xf32> to vector<1x16xf32>
      tpu.vector_store %arg11[%swap3A, %swap3A_299], %swap3A_302 {strides = array<i32>} : memref<32x64xf32, #tpu.memory_space<vmem>>, vector<1x16xf32>,
      %get3A_303 = arith.index_cast %scan3A_112 : i32 to index
      %get3A_304 = arith.constant 16 : index
      %get3A_305 = tpu.vector_load %arg9[%get3A_303, %get3A_304] {strides = array<i32>} : memref<32x64xf32, #tpu.memory_space<vmem>>, vector<1x16xf32>,
      %get3A_306 = vector.shape_cast %get3A_305 : vector<1x16xf32> to vector<16xf32>
      %mul3A_307 = arith.constant 20 : i32
      %mul3A_308 = arith.muli %scan3A_112, %mul3A_307 : i32
      %add3A_309 = arith.constant 0 : i32
      %add3A_310 = arith.addi %mul3A_308, %add3A_309 : i32
      %get3A_311 = arith.index_cast %add3A_310 : i32 to index
      %get3A_312 = arith.constant 16 : index
      %get3A_313 = tpu.vector_load %arg10[%get3A_311, %get3A_312] {strides = array<i32>} : memref<640x64xf32, #tpu.memory_space<vmem>>, vector<1x16xf32>,
      %get3A_314 = vector.shape_cast %get3A_313 : vector<1x16xf32> to vector<16xf32>
      %add3A_315 = arith.addf %get3A_306, %get3A_314 : vector<16xf32>
      %mul3A_316 = arith.constant 20 : i32
      %mul3A_317 = arith.muli %scan3A_112, %mul3A_316 : i32
      %add3A_318 = arith.constant 1 : i32
      %add3A_319 = arith.addi %mul3A_317, %add3A_318 : i32
      %get3A_320 = arith.index_cast %add3A_319 : i32 to index
      %get3A_321 = arith.constant 16 : index
      %get3A_322 = tpu.vector_load %arg10[%get3A_320, %get3A_321] {strides = array<i32>} : memref<640x64xf32, #tpu.memory_space<vmem>>, vector<1x16xf32>,
      %get3A_323 = vector.shape_cast %get3A_322 : vector<1x16xf32> to vector<16xf32>
      %add3A_324 = arith.addf %add3A_315, %get3A_323 : vector<16xf32>
      %mul3A_325 = arith.constant 20 : i32
      %mul3A_326 = arith.muli %scan3A_112, %mul3A_325 : i32
      %add3A_327 = arith.constant 2 : i32
      %add3A_328 = arith.addi %mul3A_326, %add3A_327 : i32
      %get3A_329 = arith.index_cast %add3A_328 : i32 to index
      %get3A_330 = arith.constant 16 : index
      %get3A_331 = tpu.vector_load %arg10[%get3A_329, %get3A_330] {strides = array<i32>} : memref<640x64xf32, #tpu.memory_space<vmem>>, vector<1x16xf32>,
      %get3A_332 = vector.shape_cast %get3A_331 : vector<1x16xf32> to vector<16xf32>
      %add3A_333 = arith.addf %add3A_324, %get3A_332 : vector<16xf32>
      %mul3A_334 = arith.constant 20 : i32
      %mul3A_335 = arith.muli %scan3A_112, %mul3A_334 : i32
      %add3A_336 = arith.constant 3 : i32
      %add3A_337 = arith.addi %mul3A_335, %add3A_336 : i32
      %get3A_338 = arith.index_cast %add3A_337 : i32 to index
      %get3A_339 = arith.constant 16 : index
      %get3A_340 = tpu.vector_load %arg10[%get3A_338, %get3A_339] {strides = array<i32>} : memref<640x64xf32, #tpu.memory_space<vmem>>, vector<1x16xf32>,
      %get3A_341 = vector.shape_cast %get3A_340 : vector<1x16xf32> to vector<16xf32>
      %add3A_342 = arith.addf %add3A_333, %get3A_341 : vector<16xf32>
      %mul3A_343 = arith.constant 20 : i32
      %mul3A_344 = arith.muli %scan3A_112, %mul3A_343 : i32
      %add3A_345 = arith.constant 4 : i32
      %add3A_346 = arith.addi %mul3A_344, %add3A_345 : i32
      %get3A_347 = arith.index_cast %add3A_346 : i32 to index
      %get3A_348 = arith.constant 16 : index
      %get3A_349 = tpu.vector_load %arg10[%get3A_347, %get3A_348] {strides = array<i32>} : memref<640x64xf32, #tpu.memory_space<vmem>>, vector<1x16xf32>,
      %get3A_350 = vector.shape_cast %get3A_349 : vector<1x16xf32> to vector<16xf32>
      %add3A_351 = arith.addf %add3A_342, %get3A_350 : vector<16xf32>
      %mul3A_352 = arith.constant 20 : i32
      %mul3A_353 = arith.muli %scan3A_112, %mul3A_352 : i32
      %add3A_354 = arith.constant 5 : i32
      %add3A_355 = arith.addi %mul3A_353, %add3A_354 : i32
      %get3A_356 = arith.index_cast %add3A_355 : i32 to index
      %get3A_357 = arith.constant 16 : index
      %get3A_358 = tpu.vector_load %arg10[%get3A_356, %get3A_357] {strides = array<i32>} : memref<640x64xf32, #tpu.memory_space<vmem>>, vector<1x16xf32>,
      %get3A_359 = vector.shape_cast %get3A_358 : vector<1x16xf32> to vector<16xf32>
      %add3A_360 = arith.addf %add3A_351, %get3A_359 : vector<16xf32>
      %mul3A_361 = arith.constant 20 : i32
      %mul3A_362 = arith.muli %scan3A_112, %mul3A_361 : i32
      %add3A_363 = arith.constant 6 : i32
      %add3A_364 = arith.addi %mul3A_362, %add3A_363 : i32
      %get3A_365 = arith.index_cast %add3A_364 : i32 to index
      %get3A_366 = arith.constant 16 : index
      %get3A_367 = tpu.vector_load %arg10[%get3A_365, %get3A_366] {strides = array<i32>} : memref<640x64xf32, #tpu.memory_space<vmem>>, vector<1x16xf32>,
      %get3A_368 = vector.shape_cast %get3A_367 : vector<1x16xf32> to vector<16xf32>
      %add3A_369 = arith.addf %add3A_360, %get3A_368 : vector<16xf32>
      %mul3A_370 = arith.constant 20 : i32
      %mul3A_371 = arith.muli %scan3A_112, %mul3A_370 : i32
      %add3A_372 = arith.constant 7 : i32
      %add3A_373 = arith.addi %mul3A_371, %add3A_372 : i32
      %get3A_374 = arith.index_cast %add3A_373 : i32 to index
      %get3A_375 = arith.constant 16 : index
      %get3A_376 = tpu.vector_load %arg10[%get3A_374, %get3A_375] {strides = array<i32>} : memref<640x64xf32, #tpu.memory_space<vmem>>, vector<1x16xf32>,
      %get3A_377 = vector.shape_cast %get3A_376 : vector<1x16xf32> to vector<16xf32>
      %add3A_378 = arith.addf %add3A_369, %get3A_377 : vector<16xf32>
      %mul3A_379 = arith.constant 20 : i32
      %mul3A_380 = arith.muli %scan3A_112, %mul3A_379 : i32
      %add3A_381 = arith.constant 8 : i32
      %add3A_382 = arith.addi %mul3A_380, %add3A_381 : i32
      %get3A_383 = arith.index_cast %add3A_382 : i32 to index
      %get3A_384 = arith.constant 16 : index
      %get3A_385 = tpu.vector_load %arg10[%get3A_383, %get3A_384] {strides = array<i32>} : memref<640x64xf32, #tpu.memory_space<vmem>>, vector<1x16xf32>,
      %get3A_386 = vector.shape_cast %get3A_385 : vector<1x16xf32> to vector<16xf32>
      %add3A_387 = arith.addf %add3A_378, %get3A_386 : vector<16xf32>
      %mul3A_388 = arith.constant 20 : i32
      %mul3A_389 = arith.muli %scan3A_112, %mul3A_388 : i32
      %add3A_390 = arith.constant 9 : i32
      %add3A_391 = arith.addi %mul3A_389, %add3A_390 : i32
      %get3A_392 = arith.index_cast %add3A_391 : i32 to index
      %get3A_393 = arith.constant 16 : index
      %get3A_394 = tpu.vector_load %arg10[%get3A_392, %get3A_393] {strides = array<i32>} : memref<640x64xf32, #tpu.memory_space<vmem>>, vector<1x16xf32>,
      %get3A_395 = vector.shape_cast %get3A_394 : vector<1x16xf32> to vector<16xf32>
      %add3A_396 = arith.addf %add3A_387, %get3A_395 : vector<16xf32>
      %mul3A_397 = arith.constant 20 : i32
      %mul3A_398 = arith.muli %scan3A_112, %mul3A_397 : i32
      %add3A_399 = arith.constant 10 : i32
      %add3A_400 = arith.addi %mul3A_398, %add3A_399 : i32
      %get3A_401 = arith.index_cast %add3A_400 : i32 to index
      %get3A_402 = arith.constant 16 : index
      %get3A_403 = tpu.vector_load %arg10[%get3A_401, %get3A_402] {strides = array<i32>} : memref<640x64xf32, #tpu.memory_space<vmem>>, vector<1x16xf32>,
      %get3A_404 = vector.shape_cast %get3A_403 : vector<1x16xf32> to vector<16xf32>
      %add3A_405 = arith.addf %add3A_396, %get3A_404 : vector<16xf32>
      %mul3A_406 = arith.constant 20 : i32
      %mul3A_407 = arith.muli %scan3A_112, %mul3A_406 : i32
      %add3A_408 = arith.constant 11 : i32
      %add3A_409 = arith.addi %mul3A_407, %add3A_408 : i32
      %get3A_410 = arith.index_cast %add3A_409 : i32 to index
      %get3A_411 = arith.constant 16 : index
      %get3A_412 = tpu.vector_load %arg10[%get3A_410, %get3A_411] {strides = array<i32>} : memref<640x64xf32, #tpu.memory_space<vmem>>, vector<1x16xf32>,
      %get3A_413 = vector.shape_cast %get3A_412 : vector<1x16xf32> to vector<16xf32>
      %add3A_414 = arith.addf %add3A_405, %get3A_413 : vector<16xf32>
      %mul3A_415 = arith.constant 20 : i32
      %mul3A_416 = arith.muli %scan3A_112, %mul3A_415 : i32
      %add3A_417 = arith.constant 12 : i32
      %add3A_418 = arith.addi %mul3A_416, %add3A_417 : i32
      %get3A_419 = arith.index_cast %add3A_418 : i32 to index
      %get3A_420 = arith.constant 16 : index
      %get3A_421 = tpu.vector_load %arg10[%get3A_419, %get3A_420] {strides = array<i32>} : memref<640x64xf32, #tpu.memory_space<vmem>>, vector<1x16xf32>,
      %get3A_422 = vector.shape_cast %get3A_421 : vector<1x16xf32> to vector<16xf32>
      %add3A_423 = arith.addf %add3A_414, %get3A_422 : vector<16xf32>
      %mul3A_424 = arith.constant 20 : i32
      %mul3A_425 = arith.muli %scan3A_112, %mul3A_424 : i32
      %add3A_426 = arith.constant 13 : i32
      %add3A_427 = arith.addi %mul3A_425, %add3A_426 : i32
      %get3A_428 = arith.index_cast %add3A_427 : i32 to index
      %get3A_429 = arith.constant 16 : index
      %get3A_430 = tpu.vector_load %arg10[%get3A_428, %get3A_429] {strides = array<i32>} : memref<640x64xf32, #tpu.memory_space<vmem>>, vector<1x16xf32>,
      %get3A_431 = vector.shape_cast %get3A_430 : vector<1x16xf32> to vector<16xf32>
      %add3A_432 = arith.addf %add3A_423, %get3A_431 : vector<16xf32>
      %mul3A_433 = arith.constant 20 : i32
      %mul3A_434 = arith.muli %scan3A_112, %mul3A_433 : i32
      %add3A_435 = arith.constant 14 : i32
      %add3A_436 = arith.addi %mul3A_434, %add3A_435 : i32
      %get3A_437 = arith.index_cast %add3A_436 : i32 to index
      %get3A_438 = arith.constant 16 : index
      %get3A_439 = tpu.vector_load %arg10[%get3A_437, %get3A_438] {strides = array<i32>} : memref<640x64xf32, #tpu.memory_space<vmem>>, vector<1x16xf32>,
      %get3A_440 = vector.shape_cast %get3A_439 : vector<1x16xf32> to vector<16xf32>
      %add3A_441 = arith.addf %add3A_432, %get3A_440 : vector<16xf32>
      %mul3A_442 = arith.constant 20 : i32
      %mul3A_443 = arith.muli %scan3A_112, %mul3A_442 : i32
      %add3A_444 = arith.constant 15 : i32
      %add3A_445 = arith.addi %mul3A_443, %add3A_444 : i32
      %get3A_446 = arith.index_cast %add3A_445 : i32 to index
      %get3A_447 = arith.constant 16 : index
      %get3A_448 = tpu.vector_load %arg10[%get3A_446, %get3A_447] {strides = array<i32>} : memref<640x64xf32, #tpu.memory_space<vmem>>, vector<1x16xf32>,
      %get3A_449 = vector.shape_cast %get3A_448 : vector<1x16xf32> to vector<16xf32>
      %add3A_450 = arith.addf %add3A_441, %get3A_449 : vector<16xf32>
      %mul3A_451 = arith.constant 20 : i32
      %mul3A_452 = arith.muli %scan3A_112, %mul3A_451 : i32
      %add3A_453 = arith.constant 16 : i32
      %add3A_454 = arith.addi %mul3A_452, %add3A_453 : i32
      %get3A_455 = arith.index_cast %add3A_454 : i32 to index
      %get3A_456 = arith.constant 16 : index
      %get3A_457 = tpu.vector_load %arg10[%get3A_455, %get3A_456] {strides = array<i32>} : memref<640x64xf32, #tpu.memory_space<vmem>>, vector<1x16xf32>,
      %get3A_458 = vector.shape_cast %get3A_457 : vector<1x16xf32> to vector<16xf32>
      %add3A_459 = arith.addf %add3A_450, %get3A_458 : vector<16xf32>
      %mul3A_460 = arith.constant 20 : i32
      %mul3A_461 = arith.muli %scan3A_112, %mul3A_460 : i32
      %add3A_462 = arith.constant 17 : i32
      %add3A_463 = arith.addi %mul3A_461, %add3A_462 : i32
      %get3A_464 = arith.index_cast %add3A_463 : i32 to index
      %get3A_465 = arith.constant 16 : index
      %get3A_466 = tpu.vector_load %arg10[%get3A_464, %get3A_465] {strides = array<i32>} : memref<640x64xf32, #tpu.memory_space<vmem>>, vector<1x16xf32>,
      %get3A_467 = vector.shape_cast %get3A_466 : vector<1x16xf32> to vector<16xf32>
      %add3A_468 = arith.addf %add3A_459, %get3A_467 : vector<16xf32>
      %mul3A_469 = arith.constant 20 : i32
      %mul3A_470 = arith.muli %scan3A_112, %mul3A_469 : i32
      %add3A_471 = arith.constant 18 : i32
      %add3A_472 = arith.addi %mul3A_470, %add3A_471 : i32
      %get3A_473 = arith.index_cast %add3A_472 : i32 to index
      %get3A_474 = arith.constant 16 : index
      %get3A_475 = tpu.vector_load %arg10[%get3A_473, %get3A_474] {strides = array<i32>} : memref<640x64xf32, #tpu.memory_space<vmem>>, vector<1x16xf32>,
      %get3A_476 = vector.shape_cast %get3A_475 : vector<1x16xf32> to vector<16xf32>
      %add3A_477 = arith.addf %add3A_468, %get3A_476 : vector<16xf32>
      %mul3A_478 = arith.constant 20 : i32
      %mul3A_479 = arith.muli %scan3A_112, %mul3A_478 : i32
      %add3A_480 = arith.constant 19 : i32
      %add3A_481 = arith.addi %mul3A_479, %add3A_480 : i32
      %get3A_482 = arith.index_cast %add3A_481 : i32 to index
      %get3A_483 = arith.constant 16 : index
      %get3A_484 = tpu.vector_load %arg10[%get3A_482, %get3A_483] {strides = array<i32>} : memref<640x64xf32, #tpu.memory_space<vmem>>, vector<1x16xf32>,
      %get3A_485 = vector.shape_cast %get3A_484 : vector<1x16xf32> to vector<16xf32>
      %add3A_486 = arith.addf %add3A_477, %get3A_485 : vector<16xf32>
      %mul3A_487 = arith.constant 0.0476190485 : f32
      %mul3A_488 = vector.broadcast %mul3A_487 : f32 to vector<16xf32>
      %mul3A_489 = arith.mulf %add3A_486, %mul3A_488 : vector<16xf32>
      %swap3A_490 = arith.index_cast %scan3A_112 : i32 to index
      %swap3A_491 = arith.constant 16 : index
      %swap3A_492 = tpu.vector_load %arg11[%swap3A_490, %swap3A_491] {strides = array<i32>} : memref<32x64xf32, #tpu.memory_space<vmem>>, vector<1x16xf32>,
      %swap3A_493 = vector.shape_cast %swap3A_492 : vector<1x16xf32> to vector<16xf32>
      %swap3A_494 = vector.shape_cast %mul3A_489 : vector<16xf32> to vector<1x16xf32>
      tpu.vector_store %arg11[%swap3A_490, %swap3A_491], %swap3A_494 {strides = array<i32>} : memref<32x64xf32, #tpu.memory_space<vmem>>, vector<1x16xf32>,
      %get3A_495 = arith.index_cast %scan3A_112 : i32 to index
      %get3A_496 = arith.constant 32 : index
      %get3A_497 = tpu.vector_load %arg9[%get3A_495, %get3A_496] {strides = array<i32>} : memref<32x64xf32, #tpu.memory_space<vmem>>, vector<1x16xf32>,
      %get3A_498 = vector.shape_cast %get3A_497 : vector<1x16xf32> to vector<16xf32>
      %mul3A_499 = arith.constant 20 : i32
      %mul3A_500 = arith.muli %scan3A_112, %mul3A_499 : i32
      %add3A_501 = arith.constant 0 : i32
      %add3A_502 = arith.addi %mul3A_500, %add3A_501 : i32
      %get3A_503 = arith.index_cast %add3A_502 : i32 to index
      %get3A_504 = arith.constant 32 : index
      %get3A_505 = tpu.vector_load %arg10[%get3A_503, %get3A_504] {strides = array<i32>} : memref<640x64xf32, #tpu.memory_space<vmem>>, vector<1x16xf32>,
      %get3A_506 = vector.shape_cast %get3A_505 : vector<1x16xf32> to vector<16xf32>
      %add3A_507 = arith.addf %get3A_498, %get3A_506 : vector<16xf32>
      %mul3A_508 = arith.constant 20 : i32
      %mul3A_509 = arith.muli %scan3A_112, %mul3A_508 : i32
      %add3A_510 = arith.constant 1 : i32
      %add3A_511 = arith.addi %mul3A_509, %add3A_510 : i32
      %get3A_512 = arith.index_cast %add3A_511 : i32 to index
      %get3A_513 = arith.constant 32 : index
      %get3A_514 = tpu.vector_load %arg10[%get3A_512, %get3A_513] {strides = array<i32>} : memref<640x64xf32, #tpu.memory_space<vmem>>, vector<1x16xf32>,
      %get3A_515 = vector.shape_cast %get3A_514 : vector<1x16xf32> to vector<16xf32>
      %add3A_516 = arith.addf %add3A_507, %get3A_515 : vector<16xf32>
      %mul3A_517 = arith.constant 20 : i32
      %mul3A_518 = arith.muli %scan3A_112, %mul3A_517 : i32
      %add3A_519 = arith.constant 2 : i32
      %add3A_520 = arith.addi %mul3A_518, %add3A_519 : i32
      %get3A_521 = arith.index_cast %add3A_520 : i32 to index
      %get3A_522 = arith.constant 32 : index
      %get3A_523 = tpu.vector_load %arg10[%get3A_521, %get3A_522] {strides = array<i32>} : memref<640x64xf32, #tpu.memory_space<vmem>>, vector<1x16xf32>,
      %get3A_524 = vector.shape_cast %get3A_523 : vector<1x16xf32> to vector<16xf32>
      %add3A_525 = arith.addf %add3A_516, %get3A_524 : vector<16xf32>
      %mul3A_526 = arith.constant 20 : i32
      %mul3A_527 = arith.muli %scan3A_112, %mul3A_526 : i32
      %add3A_528 = arith.constant 3 : i32
      %add3A_529 = arith.addi %mul3A_527, %add3A_528 : i32
      %get3A_530 = arith.index_cast %add3A_529 : i32 to index
      %get3A_531 = arith.constant 32 : index
      %get3A_532 = tpu.vector_load %arg10[%get3A_530, %get3A_531] {strides = array<i32>} : memref<640x64xf32, #tpu.memory_space<vmem>>, vector<1x16xf32>,
      %get3A_533 = vector.shape_cast %get3A_532 : vector<1x16xf32> to vector<16xf32>
      %add3A_534 = arith.addf %add3A_525, %get3A_533 : vector<16xf32>
      %mul3A_535 = arith.constant 20 : i32
      %mul3A_536 = arith.muli %scan3A_112, %mul3A_535 : i32
      %add3A_537 = arith.constant 4 : i32
      %add3A_538 = arith.addi %mul3A_536, %add3A_537 : i32
      %get3A_539 = arith.index_cast %add3A_538 : i32 to index
      %get3A_540 = arith.constant 32 : index
      %get3A_541 = tpu.vector_load %arg10[%get3A_539, %get3A_540] {strides = array<i32>} : memref<640x64xf32, #tpu.memory_space<vmem>>, vector<1x16xf32>,
      %get3A_542 = vector.shape_cast %get3A_541 : vector<1x16xf32> to vector<16xf32>
      %add3A_543 = arith.addf %add3A_534, %get3A_542 : vector<16xf32>
      %mul3A_544 = arith.constant 20 : i32
      %mul3A_545 = arith.muli %scan3A_112, %mul3A_544 : i32
      %add3A_546 = arith.constant 5 : i32
      %add3A_547 = arith.addi %mul3A_545, %add3A_546 : i32
      %get3A_548 = arith.index_cast %add3A_547 : i32 to index
      %get3A_549 = arith.constant 32 : index
      %get3A_550 = tpu.vector_load %arg10[%get3A_548, %get3A_549] {strides = array<i32>} : memref<640x64xf32, #tpu.memory_space<vmem>>, vector<1x16xf32>,
      %get3A_551 = vector.shape_cast %get3A_550 : vector<1x16xf32> to vector<16xf32>
      %add3A_552 = arith.addf %add3A_543, %get3A_551 : vector<16xf32>
      %mul3A_553 = arith.constant 20 : i32
      %mul3A_554 = arith.muli %scan3A_112, %mul3A_553 : i32
      %add3A_555 = arith.constant 6 : i32
      %add3A_556 = arith.addi %mul3A_554, %add3A_555 : i32
      %get3A_557 = arith.index_cast %add3A_556 : i32 to index
      %get3A_558 = arith.constant 32 : index
      %get3A_559 = tpu.vector_load %arg10[%get3A_557, %get3A_558] {strides = array<i32>} : memref<640x64xf32, #tpu.memory_space<vmem>>, vector<1x16xf32>,
      %get3A_560 = vector.shape_cast %get3A_559 : vector<1x16xf32> to vector<16xf32>
      %add3A_561 = arith.addf %add3A_552, %get3A_560 : vector<16xf32>
      %mul3A_562 = arith.constant 20 : i32
      %mul3A_563 = arith.muli %scan3A_112, %mul3A_562 : i32
      %add3A_564 = arith.constant 7 : i32
      %add3A_565 = arith.addi %mul3A_563, %add3A_564 : i32
      %get3A_566 = arith.index_cast %add3A_565 : i32 to index
      %get3A_567 = arith.constant 32 : index
      %get3A_568 = tpu.vector_load %arg10[%get3A_566, %get3A_567] {strides = array<i32>} : memref<640x64xf32, #tpu.memory_space<vmem>>, vector<1x16xf32>,
      %get3A_569 = vector.shape_cast %get3A_568 : vector<1x16xf32> to vector<16xf32>
      %add3A_570 = arith.addf %add3A_561, %get3A_569 : vector<16xf32>
      %mul3A_571 = arith.constant 20 : i32
      %mul3A_572 = arith.muli %scan3A_112, %mul3A_571 : i32
      %add3A_573 = arith.constant 8 : i32
      %add3A_574 = arith.addi %mul3A_572, %add3A_573 : i32
      %get3A_575 = arith.index_cast %add3A_574 : i32 to index
      %get3A_576 = arith.constant 32 : index
      %get3A_577 = tpu.vector_load %arg10[%get3A_575, %get3A_576] {strides = array<i32>} : memref<640x64xf32, #tpu.memory_space<vmem>>, vector<1x16xf32>,
      %get3A_578 = vector.shape_cast %get3A_577 : vector<1x16xf32> to vector<16xf32>
      %add3A_579 = arith.addf %add3A_570, %get3A_578 : vector<16xf32>
      %mul3A_580 = arith.constant 20 : i32
      %mul3A_581 = arith.muli %scan3A_112, %mul3A_580 : i32
      %add3A_582 = arith.constant 9 : i32
      %add3A_583 = arith.addi %mul3A_581, %add3A_582 : i32
      %get3A_584 = arith.index_cast %add3A_583 : i32 to index
      %get3A_585 = arith.constant 32 : index
      %get3A_586 = tpu.vector_load %arg10[%get3A_584, %get3A_585] {strides = array<i32>} : memref<640x64xf32, #tpu.memory_space<vmem>>, vector<1x16xf32>,
      %get3A_587 = vector.shape_cast %get3A_586 : vector<1x16xf32> to vector<16xf32>
      %add3A_588 = arith.addf %add3A_579, %get3A_587 : vector<16xf32>
      %mul3A_589 = arith.constant 20 : i32
      %mul3A_590 = arith.muli %scan3A_112, %mul3A_589 : i32
      %add3A_591 = arith.constant 10 : i32
      %add3A_592 = arith.addi %mul3A_590, %add3A_591 : i32
      %get3A_593 = arith.index_cast %add3A_592 : i32 to index
      %get3A_594 = arith.constant 32 : index
      %get3A_595 = tpu.vector_load %arg10[%get3A_593, %get3A_594] {strides = array<i32>} : memref<640x64xf32, #tpu.memory_space<vmem>>, vector<1x16xf32>,
      %get3A_596 = vector.shape_cast %get3A_595 : vector<1x16xf32> to vector<16xf32>
      %add3A_597 = arith.addf %add3A_588, %get3A_596 : vector<16xf32>
      %mul3A_598 = arith.constant 20 : i32
      %mul3A_599 = arith.muli %scan3A_112, %mul3A_598 : i32
      %add3A_600 = arith.constant 11 : i32
      %add3A_601 = arith.addi %mul3A_599, %add3A_600 : i32
      %get3A_602 = arith.index_cast %add3A_601 : i32 to index
      %get3A_603 = arith.constant 32 : index
      %get3A_604 = tpu.vector_load %arg10[%get3A_602, %get3A_603] {strides = array<i32>} : memref<640x64xf32, #tpu.memory_space<vmem>>, vector<1x16xf32>,
      %get3A_605 = vector.shape_cast %get3A_604 : vector<1x16xf32> to vector<16xf32>
      %add3A_606 = arith.addf %add3A_597, %get3A_605 : vector<16xf32>
      %mul3A_607 = arith.constant 20 : i32
      %mul3A_608 = arith.muli %scan3A_112, %mul3A_607 : i32
      %add3A_609 = arith.constant 12 : i32
      %add3A_610 = arith.addi %mul3A_608, %add3A_609 : i32
      %get3A_611 = arith.index_cast %add3A_610 : i32 to index
      %get3A_612 = arith.constant 32 : index
      %get3A_613 = tpu.vector_load %arg10[%get3A_611, %get3A_612] {strides = array<i32>} : memref<640x64xf32, #tpu.memory_space<vmem>>, vector<1x16xf32>,
      %get3A_614 = vector.shape_cast %get3A_613 : vector<1x16xf32> to vector<16xf32>
      %add3A_615 = arith.addf %add3A_606, %get3A_614 : vector<16xf32>
      %mul3A_616 = arith.constant 20 : i32
      %mul3A_617 = arith.muli %scan3A_112, %mul3A_616 : i32
      %add3A_618 = arith.constant 13 : i32
      %add3A_619 = arith.addi %mul3A_617, %add3A_618 : i32
      %get3A_620 = arith.index_cast %add3A_619 : i32 to index
      %get3A_621 = arith.constant 32 : index
      %get3A_622 = tpu.vector_load %arg10[%get3A_620, %get3A_621] {strides = array<i32>} : memref<640x64xf32, #tpu.memory_space<vmem>>, vector<1x16xf32>,
      %get3A_623 = vector.shape_cast %get3A_622 : vector<1x16xf32> to vector<16xf32>
      %add3A_624 = arith.addf %add3A_615, %get3A_623 : vector<16xf32>
      %mul3A_625 = arith.constant 20 : i32
      %mul3A_626 = arith.muli %scan3A_112, %mul3A_625 : i32
      %add3A_627 = arith.constant 14 : i32
      %add3A_628 = arith.addi %mul3A_626, %add3A_627 : i32
      %get3A_629 = arith.index_cast %add3A_628 : i32 to index
      %get3A_630 = arith.constant 32 : index
      %get3A_631 = tpu.vector_load %arg10[%get3A_629, %get3A_630] {strides = array<i32>} : memref<640x64xf32, #tpu.memory_space<vmem>>, vector<1x16xf32>,
      %get3A_632 = vector.shape_cast %get3A_631 : vector<1x16xf32> to vector<16xf32>
      %add3A_633 = arith.addf %add3A_624, %get3A_632 : vector<16xf32>
      %mul3A_634 = arith.constant 20 : i32
      %mul3A_635 = arith.muli %scan3A_112, %mul3A_634 : i32
      %add3A_636 = arith.constant 15 : i32
      %add3A_637 = arith.addi %mul3A_635, %add3A_636 : i32
      %get3A_638 = arith.index_cast %add3A_637 : i32 to index
      %get3A_639 = arith.constant 32 : index
      %get3A_640 = tpu.vector_load %arg10[%get3A_638, %get3A_639] {strides = array<i32>} : memref<640x64xf32, #tpu.memory_space<vmem>>, vector<1x16xf32>,
      %get3A_641 = vector.shape_cast %get3A_640 : vector<1x16xf32> to vector<16xf32>
      %add3A_642 = arith.addf %add3A_633, %get3A_641 : vector<16xf32>
      %mul3A_643 = arith.constant 20 : i32
      %mul3A_644 = arith.muli %scan3A_112, %mul3A_643 : i32
      %add3A_645 = arith.constant 16 : i32
      %add3A_646 = arith.addi %mul3A_644, %add3A_645 : i32
      %get3A_647 = arith.index_cast %add3A_646 : i32 to index
      %get3A_648 = arith.constant 32 : index
      %get3A_649 = tpu.vector_load %arg10[%get3A_647, %get3A_648] {strides = array<i32>} : memref<640x64xf32, #tpu.memory_space<vmem>>, vector<1x16xf32>,
      %get3A_650 = vector.shape_cast %get3A_649 : vector<1x16xf32> to vector<16xf32>
      %add3A_651 = arith.addf %add3A_642, %get3A_650 : vector<16xf32>
      %mul3A_652 = arith.constant 20 : i32
      %mul3A_653 = arith.muli %scan3A_112, %mul3A_652 : i32
      %add3A_654 = arith.constant 17 : i32
      %add3A_655 = arith.addi %mul3A_653, %add3A_654 : i32
      %get3A_656 = arith.index_cast %add3A_655 : i32 to index
      %get3A_657 = arith.constant 32 : index
      %get3A_658 = tpu.vector_load %arg10[%get3A_656, %get3A_657] {strides = array<i32>} : memref<640x64xf32, #tpu.memory_space<vmem>>, vector<1x16xf32>,
      %get3A_659 = vector.shape_cast %get3A_658 : vector<1x16xf32> to vector<16xf32>
      %add3A_660 = arith.addf %add3A_651, %get3A_659 : vector<16xf32>
      %mul3A_661 = arith.constant 20 : i32
      %mul3A_662 = arith.muli %scan3A_112, %mul3A_661 : i32
      %add3A_663 = arith.constant 18 : i32
      %add3A_664 = arith.addi %mul3A_662, %add3A_663 : i32
      %get3A_665 = arith.index_cast %add3A_664 : i32 to index
      %get3A_666 = arith.constant 32 : index
      %get3A_667 = tpu.vector_load %arg10[%get3A_665, %get3A_666] {strides = array<i32>} : memref<640x64xf32, #tpu.memory_space<vmem>>, vector<1x16xf32>,
      %get3A_668 = vector.shape_cast %get3A_667 : vector<1x16xf32> to vector<16xf32>
      %add3A_669 = arith.addf %add3A_660, %get3A_668 : vector<16xf32>
      %mul3A_670 = arith.constant 20 : i32
      %mul3A_671 = arith.muli %scan3A_112, %mul3A_670 : i32
      %add3A_672 = arith.constant 19 : i32
      %add3A_673 = arith.addi %mul3A_671, %add3A_672 : i32
      %get3A_674 = arith.index_cast %add3A_673 : i32 to index
      %get3A_675 = arith.constant 32 : index
      %get3A_676 = tpu.vector_load %arg10[%get3A_674, %get3A_675] {strides = array<i32>} : memref<640x64xf32, #tpu.memory_space<vmem>>, vector<1x16xf32>,
      %get3A_677 = vector.shape_cast %get3A_676 : vector<1x16xf32> to vector<16xf32>
      %add3A_678 = arith.addf %add3A_669, %get3A_677 : vector<16xf32>
      %mul3A_679 = arith.constant 0.0476190485 : f32
      %mul3A_680 = vector.broadcast %mul3A_679 : f32 to vector<16xf32>
      %mul3A_681 = arith.mulf %add3A_678, %mul3A_680 : vector<16xf32>
      %swap3A_682 = arith.index_cast %scan3A_112 : i32 to index
      %swap3A_683 = arith.constant 32 : index
      %swap3A_684 = tpu.vector_load %arg11[%swap3A_682, %swap3A_683] {strides = array<i32>} : memref<32x64xf32, #tpu.memory_space<vmem>>, vector<1x16xf32>,
      %swap3A_685 = vector.shape_cast %swap3A_684 : vector<1x16xf32> to vector<16xf32>
      %swap3A_686 = vector.shape_cast %mul3A_681 : vector<16xf32> to vector<1x16xf32>
      tpu.vector_store %arg11[%swap3A_682, %swap3A_683], %swap3A_686 {strides = array<i32>} : memref<32x64xf32, #tpu.memory_space<vmem>>, vector<1x16xf32>,
      %get3A_687 = arith.index_cast %scan3A_112 : i32 to index
      %get3A_688 = arith.constant 48 : index
      %get3A_689 = tpu.vector_load %arg9[%get3A_687, %get3A_688] {strides = array<i32>} : memref<32x64xf32, #tpu.memory_space<vmem>>, vector<1x16xf32>,
      %get3A_690 = vector.shape_cast %get3A_689 : vector<1x16xf32> to vector<16xf32>
      %mul3A_691 = arith.constant 20 : i32
      %mul3A_692 = arith.muli %scan3A_112, %mul3A_691 : i32
      %add3A_693 = arith.constant 0 : i32
      %add3A_694 = arith.addi %mul3A_692, %add3A_693 : i32
      %get3A_695 = arith.index_cast %add3A_694 : i32 to index
      %get3A_696 = arith.constant 48 : index
      %get3A_697 = tpu.vector_load %arg10[%get3A_695, %get3A_696] {strides = array<i32>} : memref<640x64xf32, #tpu.memory_space<vmem>>, vector<1x16xf32>,
      %get3A_698 = vector.shape_cast %get3A_697 : vector<1x16xf32> to vector<16xf32>
      %add3A_699 = arith.addf %get3A_690, %get3A_698 : vector<16xf32>
      %mul3A_700 = arith.constant 20 : i32
      %mul3A_701 = arith.muli %scan3A_112, %mul3A_700 : i32
      %add3A_702 = arith.constant 1 : i32
      %add3A_703 = arith.addi %mul3A_701, %add3A_702 : i32
      %get3A_704 = arith.index_cast %add3A_703 : i32 to index
      %get3A_705 = arith.constant 48 : index
      %get3A_706 = tpu.vector_load %arg10[%get3A_704, %get3A_705] {strides = array<i32>} : memref<640x64xf32, #tpu.memory_space<vmem>>, vector<1x16xf32>,
      %get3A_707 = vector.shape_cast %get3A_706 : vector<1x16xf32> to vector<16xf32>
      %add3A_708 = arith.addf %add3A_699, %get3A_707 : vector<16xf32>
      %mul3A_709 = arith.constant 20 : i32
      %mul3A_710 = arith.muli %scan3A_112, %mul3A_709 : i32
      %add3A_711 = arith.constant 2 : i32
      %add3A_712 = arith.addi %mul3A_710, %add3A_711 : i32
      %get3A_713 = arith.index_cast %add3A_712 : i32 to index
      %get3A_714 = arith.constant 48 : index
      %get3A_715 = tpu.vector_load %arg10[%get3A_713, %get3A_714] {strides = array<i32>} : memref<640x64xf32, #tpu.memory_space<vmem>>, vector<1x16xf32>,
      %get3A_716 = vector.shape_cast %get3A_715 : vector<1x16xf32> to vector<16xf32>
      %add3A_717 = arith.addf %add3A_708, %get3A_716 : vector<16xf32>
      %mul3A_718 = arith.constant 20 : i32
      %mul3A_719 = arith.muli %scan3A_112, %mul3A_718 : i32
      %add3A_720 = arith.constant 3 : i32
      %add3A_721 = arith.addi %mul3A_719, %add3A_720 : i32
      %get3A_722 = arith.index_cast %add3A_721 : i32 to index
      %get3A_723 = arith.constant 48 : index
      %get3A_724 = tpu.vector_load %arg10[%get3A_722, %get3A_723] {strides = array<i32>} : memref<640x64xf32, #tpu.memory_space<vmem>>, vector<1x16xf32>,
      %get3A_725 = vector.shape_cast %get3A_724 : vector<1x16xf32> to vector<16xf32>
      %add3A_726 = arith.addf %add3A_717, %get3A_725 : vector<16xf32>
      %mul3A_727 = arith.constant 20 : i32
      %mul3A_728 = arith.muli %scan3A_112, %mul3A_727 : i32
      %add3A_729 = arith.constant 4 : i32
      %add3A_730 = arith.addi %mul3A_728, %add3A_729 : i32
      %get3A_731 = arith.index_cast %add3A_730 : i32 to index
      %get3A_732 = arith.constant 48 : index
      %get3A_733 = tpu.vector_load %arg10[%get3A_731, %get3A_732] {strides = array<i32>} : memref<640x64xf32, #tpu.memory_space<vmem>>, vector<1x16xf32>,
      %get3A_734 = vector.shape_cast %get3A_733 : vector<1x16xf32> to vector<16xf32>
      %add3A_735 = arith.addf %add3A_726, %get3A_734 : vector<16xf32>
      %mul3A_736 = arith.constant 20 : i32
      %mul3A_737 = arith.muli %scan3A_112, %mul3A_736 : i32
      %add3A_738 = arith.constant 5 : i32
      %add3A_739 = arith.addi %mul3A_737, %add3A_738 : i32
      %get3A_740 = arith.index_cast %add3A_739 : i32 to index
      %get3A_741 = arith.constant 48 : index
      %get3A_742 = tpu.vector_load %arg10[%get3A_740, %get3A_741] {strides = array<i32>} : memref<640x64xf32, #tpu.memory_space<vmem>>, vector<1x16xf32>,
      %get3A_743 = vector.shape_cast %get3A_742 : vector<1x16xf32> to vector<16xf32>
      %add3A_744 = arith.addf %add3A_735, %get3A_743 : vector<16xf32>
      %mul3A_745 = arith.constant 20 : i32
      %mul3A_746 = arith.muli %scan3A_112, %mul3A_745 : i32
      %add3A_747 = arith.constant 6 : i32
      %add3A_748 = arith.addi %mul3A_746, %add3A_747 : i32
      %get3A_749 = arith.index_cast %add3A_748 : i32 to index
      %get3A_750 = arith.constant 48 : index
      %get3A_751 = tpu.vector_load %arg10[%get3A_749, %get3A_750] {strides = array<i32>} : memref<640x64xf32, #tpu.memory_space<vmem>>, vector<1x16xf32>,
      %get3A_752 = vector.shape_cast %get3A_751 : vector<1x16xf32> to vector<16xf32>
      %add3A_753 = arith.addf %add3A_744, %get3A_752 : vector<16xf32>
      %mul3A_754 = arith.constant 20 : i32
      %mul3A_755 = arith.muli %scan3A_112, %mul3A_754 : i32
      %add3A_756 = arith.constant 7 : i32
      %add3A_757 = arith.addi %mul3A_755, %add3A_756 : i32
      %get3A_758 = arith.index_cast %add3A_757 : i32 to index
      %get3A_759 = arith.constant 48 : index
      %get3A_760 = tpu.vector_load %arg10[%get3A_758, %get3A_759] {strides = array<i32>} : memref<640x64xf32, #tpu.memory_space<vmem>>, vector<1x16xf32>,
      %get3A_761 = vector.shape_cast %get3A_760 : vector<1x16xf32> to vector<16xf32>
      %add3A_762 = arith.addf %add3A_753, %get3A_761 : vector<16xf32>
      %mul3A_763 = arith.constant 20 : i32
      %mul3A_764 = arith.muli %scan3A_112, %mul3A_763 : i32
      %add3A_765 = arith.constant 8 : i32
      %add3A_766 = arith.addi %mul3A_764, %add3A_765 : i32
      %get3A_767 = arith.index_cast %add3A_766 : i32 to index
      %get3A_768 = arith.constant 48 : index
      %get3A_769 = tpu.vector_load %arg10[%get3A_767, %get3A_768] {strides = array<i32>} : memref<640x64xf32, #tpu.memory_space<vmem>>, vector<1x16xf32>,
      %get3A_770 = vector.shape_cast %get3A_769 : vector<1x16xf32> to vector<16xf32>
      %add3A_771 = arith.addf %add3A_762, %get3A_770 : vector<16xf32>
      %mul3A_772 = arith.constant 20 : i32
      %mul3A_773 = arith.muli %scan3A_112, %mul3A_772 : i32
      %add3A_774 = arith.constant 9 : i32
      %add3A_775 = arith.addi %mul3A_773, %add3A_774 : i32
      %get3A_776 = arith.index_cast %add3A_775 : i32 to index
      %get3A_777 = arith.constant 48 : index
      %get3A_778 = tpu.vector_load %arg10[%get3A_776, %get3A_777] {strides = array<i32>} : memref<640x64xf32, #tpu.memory_space<vmem>>, vector<1x16xf32>,
      %get3A_779 = vector.shape_cast %get3A_778 : vector<1x16xf32> to vector<16xf32>
      %add3A_780 = arith.addf %add3A_771, %get3A_779 : vector<16xf32>
      %mul3A_781 = arith.constant 20 : i32
      %mul3A_782 = arith.muli %scan3A_112, %mul3A_781 : i32
      %add3A_783 = arith.constant 10 : i32
      %add3A_784 = arith.addi %mul3A_782, %add3A_783 : i32
      %get3A_785 = arith.index_cast %add3A_784 : i32 to index
      %get3A_786 = arith.constant 48 : index
      %get3A_787 = tpu.vector_load %arg10[%get3A_785, %get3A_786] {strides = array<i32>} : memref<640x64xf32, #tpu.memory_space<vmem>>, vector<1x16xf32>,
      %get3A_788 = vector.shape_cast %get3A_787 : vector<1x16xf32> to vector<16xf32>
      %add3A_789 = arith.addf %add3A_780, %get3A_788 : vector<16xf32>
      %mul3A_790 = arith.constant 20 : i32
      %mul3A_791 = arith.muli %scan3A_112, %mul3A_790 : i32
      %add3A_792 = arith.constant 11 : i32
      %add3A_793 = arith.addi %mul3A_791, %add3A_792 : i32
      %get3A_794 = arith.index_cast %add3A_793 : i32 to index
      %get3A_795 = arith.constant 48 : index
      %get3A_796 = tpu.vector_load %arg10[%get3A_794, %get3A_795] {strides = array<i32>} : memref<640x64xf32, #tpu.memory_space<vmem>>, vector<1x16xf32>,
      %get3A_797 = vector.shape_cast %get3A_796 : vector<1x16xf32> to vector<16xf32>
      %add3A_798 = arith.addf %add3A_789, %get3A_797 : vector<16xf32>
      %mul3A_799 = arith.constant 20 : i32
      %mul3A_800 = arith.muli %scan3A_112, %mul3A_799 : i32
      %add3A_801 = arith.constant 12 : i32
      %add3A_802 = arith.addi %mul3A_800, %add3A_801 : i32
      %get3A_803 = arith.index_cast %add3A_802 : i32 to index
      %get3A_804 = arith.constant 48 : index
      %get3A_805 = tpu.vector_load %arg10[%get3A_803, %get3A_804] {strides = array<i32>} : memref<640x64xf32, #tpu.memory_space<vmem>>, vector<1x16xf32>,
      %get3A_806 = vector.shape_cast %get3A_805 : vector<1x16xf32> to vector<16xf32>
      %add3A_807 = arith.addf %add3A_798, %get3A_806 : vector<16xf32>
      %mul3A_808 = arith.constant 20 : i32
      %mul3A_809 = arith.muli %scan3A_112, %mul3A_808 : i32
      %add3A_810 = arith.constant 13 : i32
      %add3A_811 = arith.addi %mul3A_809, %add3A_810 : i32
      %get3A_812 = arith.index_cast %add3A_811 : i32 to index
      %get3A_813 = arith.constant 48 : index
      %get3A_814 = tpu.vector_load %arg10[%get3A_812, %get3A_813] {strides = array<i32>} : memref<640x64xf32, #tpu.memory_space<vmem>>, vector<1x16xf32>,
      %get3A_815 = vector.shape_cast %get3A_814 : vector<1x16xf32> to vector<16xf32>
      %add3A_816 = arith.addf %add3A_807, %get3A_815 : vector<16xf32>
      %mul3A_817 = arith.constant 20 : i32
      %mul3A_818 = arith.muli %scan3A_112, %mul3A_817 : i32
      %add3A_819 = arith.constant 14 : i32
      %add3A_820 = arith.addi %mul3A_818, %add3A_819 : i32
      %get3A_821 = arith.index_cast %add3A_820 : i32 to index
      %get3A_822 = arith.constant 48 : index
      %get3A_823 = tpu.vector_load %arg10[%get3A_821, %get3A_822] {strides = array<i32>} : memref<640x64xf32, #tpu.memory_space<vmem>>, vector<1x16xf32>,
      %get3A_824 = vector.shape_cast %get3A_823 : vector<1x16xf32> to vector<16xf32>
      %add3A_825 = arith.addf %add3A_816, %get3A_824 : vector<16xf32>
      %mul3A_826 = arith.constant 20 : i32
      %mul3A_827 = arith.muli %scan3A_112, %mul3A_826 : i32
      %add3A_828 = arith.constant 15 : i32
      %add3A_829 = arith.addi %mul3A_827, %add3A_828 : i32
      %get3A_830 = arith.index_cast %add3A_829 : i32 to index
      %get3A_831 = arith.constant 48 : index
      %get3A_832 = tpu.vector_load %arg10[%get3A_830, %get3A_831] {strides = array<i32>} : memref<640x64xf32, #tpu.memory_space<vmem>>, vector<1x16xf32>,
      %get3A_833 = vector.shape_cast %get3A_832 : vector<1x16xf32> to vector<16xf32>
      %add3A_834 = arith.addf %add3A_825, %get3A_833 : vector<16xf32>
      %mul3A_835 = arith.constant 20 : i32
      %mul3A_836 = arith.muli %scan3A_112, %mul3A_835 : i32
      %add3A_837 = arith.constant 16 : i32
      %add3A_838 = arith.addi %mul3A_836, %add3A_837 : i32
      %get3A_839 = arith.index_cast %add3A_838 : i32 to index
      %get3A_840 = arith.constant 48 : index
      %get3A_841 = tpu.vector_load %arg10[%get3A_839, %get3A_840] {strides = array<i32>} : memref<640x64xf32, #tpu.memory_space<vmem>>, vector<1x16xf32>,
      %get3A_842 = vector.shape_cast %get3A_841 : vector<1x16xf32> to vector<16xf32>
      %add3A_843 = arith.addf %add3A_834, %get3A_842 : vector<16xf32>
      %mul3A_844 = arith.constant 20 : i32
      %mul3A_845 = arith.muli %scan3A_112, %mul3A_844 : i32
      %add3A_846 = arith.constant 17 : i32
      %add3A_847 = arith.addi %mul3A_845, %add3A_846 : i32
      %get3A_848 = arith.index_cast %add3A_847 : i32 to index
      %get3A_849 = arith.constant 48 : index
      %get3A_850 = tpu.vector_load %arg10[%get3A_848, %get3A_849] {strides = array<i32>} : memref<640x64xf32, #tpu.memory_space<vmem>>, vector<1x16xf32>,
      %get3A_851 = vector.shape_cast %get3A_850 : vector<1x16xf32> to vector<16xf32>
      %add3A_852 = arith.addf %add3A_843, %get3A_851 : vector<16xf32>
      %mul3A_853 = arith.constant 20 : i32
      %mul3A_854 = arith.muli %scan3A_112, %mul3A_853 : i32
      %add3A_855 = arith.constant 18 : i32
      %add3A_856 = arith.addi %mul3A_854, %add3A_855 : i32
      %get3A_857 = arith.index_cast %add3A_856 : i32 to index
      %get3A_858 = arith.constant 48 : index
      %get3A_859 = tpu.vector_load %arg10[%get3A_857, %get3A_858] {strides = array<i32>} : memref<640x64xf32, #tpu.memory_space<vmem>>, vector<1x16xf32>,
      %get3A_860 = vector.shape_cast %get3A_859 : vector<1x16xf32> to vector<16xf32>
      %add3A_861 = arith.addf %add3A_852, %get3A_860 : vector<16xf32>
      %mul3A_862 = arith.constant 20 : i32
      %mul3A_863 = arith.muli %scan3A_112, %mul3A_862 : i32
      %add3A_864 = arith.constant 19 : i32
      %add3A_865 = arith.addi %mul3A_863, %add3A_864 : i32
      %get3A_866 = arith.index_cast %add3A_865 : i32 to index
      %get3A_867 = arith.constant 48 : index
      %get3A_868 = tpu.vector_load %arg10[%get3A_866, %get3A_867] {strides = array<i32>} : memref<640x64xf32, #tpu.memory_space<vmem>>, vector<1x16xf32>,
      %get3A_869 = vector.shape_cast %get3A_868 : vector<1x16xf32> to vector<16xf32>
      %add3A_870 = arith.addf %add3A_861, %get3A_869 : vector<16xf32>
      %mul3A_871 = arith.constant 0.0476190485 : f32
      %mul3A_872 = vector.broadcast %mul3A_871 : f32 to vector<16xf32>
      %mul3A_873 = arith.mulf %add3A_870, %mul3A_872 : vector<16xf32>
      %swap3A_874 = arith.index_cast %scan3A_112 : i32 to index
      %swap3A_875 = arith.constant 48 : index
      %swap3A_876 = tpu.vector_load %arg11[%swap3A_874, %swap3A_875] {strides = array<i32>} : memref<32x64xf32, #tpu.memory_space<vmem>>, vector<1x16xf32>,
      %swap3A_877 = vector.shape_cast %swap3A_876 : vector<1x16xf32> to vector<16xf32>
      %swap3A_878 = vector.shape_cast %mul3A_873 : vector<16xf32> to vector<1x16xf32>
      tpu.vector_store %arg11[%swap3A_874, %swap3A_875], %swap3A_878 {strides = array<i32>} : memref<32x64xf32, #tpu.memory_space<vmem>>, vector<1x16xf32>,
    }
    %scan3A_111 = arith.constant 32 : i32
    "tpu.region"() ({
      %run_scoped3A = tpu.sem_alloc : memref<!tpu.dma_semaphore, #tpu.memory_space<semaphore_mem>>
      %dma_start3A_112 = arith.constant 0 : i32
      %dma_start3A_113 = tpu.memref_slice %arg6[%mul3A_2, %dma_start3A_112] : memref<1024x64xf32, #tpu.memory_space<hbm>> -> memref<32x64xf32, #tpu.memory_space<hbm>>
      %dma_start3A_114 = arith.constant 0 : i32
      %dma_start3A_115 = tpu.memref_slice %arg6[%mul3A_2, %dma_start3A_114] : memref<1024x64xf32, #tpu.memory_space<hbm>> -> memref<32x64xf32, #tpu.memory_space<hbm>>
      tpu.enqueue_dma source(%arg11 : memref<32x64xf32, #tpu.memory_space<vmem>>) target(%dma_start3A_115 : memref<32x64xf32, #tpu.memory_space<hbm>>) target_semaphore(%run_scoped3A : memref<!tpu.dma_semaphore, #tpu.memory_space<semaphore_mem>>)
      %dma_wait3A_116 = arith.constant 0 : i32
      %dma_wait3A_117 = tpu.memref_slice %arg6[%mul3A_2, %dma_wait3A_116] : memref<1024x64xf32, #tpu.memory_space<hbm>> -> memref<32x64xf32, #tpu.memory_space<hbm>>
      %dma_wait3A_118 = arith.constant 0 : i32
      %dma_wait3A_119 = tpu.memref_slice %arg6[%mul3A_2, %dma_wait3A_118] : memref<1024x64xf32, #tpu.memory_space<hbm>> -> memref<32x64xf32, #tpu.memory_space<hbm>>
      tpu.wait_dma2 semaphore(%run_scoped3A : memref<!tpu.dma_semaphore, #tpu.memory_space<semaphore_mem>>) src(%arg11 : memref<32x64xf32, #tpu.memory_space<vmem>>) dst(%dma_wait3A_119 : memref<32x64xf32, #tpu.memory_space<hbm>>)
      tpu.yield
    }) : () -> ()
    return
  }
}

module attributes {stable_mosaic.version = 14 : i64} {
  func.func @_sumexp_body(%arg0: i32, %arg1: memref<1024x64xf32, #tpu.memory_space<vmem>>, %arg2: memref<2048x64xf32, #tpu.memory_space<vmem>>, %arg3: memref<1x2048xf32, #tpu.memory_space<vmem>>, %arg4: memref<1024x1xf32, #tpu.memory_space<vmem>>) attributes {dimension_semantics = [#tpu.dimension_semantics<arbitrary>], iteration_bounds = array<i64: 49>, scalar_prefetch = 0 : i64, scratch_operands = 0 : i64, tpu.core_type = #tpu.core_type<tc>, window_params = [{pipeline_mode = #tpu.pipeline_mode<synchronous>, transform_indices = @transform_0, window_bounds = array<i64: 1024, 64>}, {transform_indices = @transform_1, window_bounds = array<i64: 2048, 64>}, {transform_indices = @transform_2, window_bounds = array<i64: 1, 2048>}, {pipeline_mode = #tpu.pipeline_mode<synchronous>, transform_indices = @transform_3, window_bounds = array<i64: 1024, 1>}]} {
    %get3A = arith.constant 0 : index
    %get3A_0 = arith.constant 0 : index
    %get3A_1 = vector.load %arg1[%get3A, %get3A_0] : memref<1024x64xf32, #tpu.memory_space<vmem>>, vector<1024x64xf32>
    %convert_element_type3A = arith.truncf %get3A_1 : vector<1024x64xf32> to vector<1024x64xbf16>
    %get3A_2 = arith.constant 0 : index
    %get3A_3 = arith.constant 0 : index
    %get3A_4 = vector.load %arg2[%get3A_2, %get3A_3] : memref<2048x64xf32, #tpu.memory_space<vmem>>, vector<2048x64xf32>
    %convert_element_type3A_5 = arith.truncf %get3A_4 : vector<2048x64xf32> to vector<2048x64xbf16>
    %dot_general3A = arith.constant dense<0.000000e+00> : vector<1024x2048xf32>
    %dot_general3A_6 = tpu.matmul %convert_element_type3A, %convert_element_type3A_5, %dot_general3A {dimension_numbers = #tpu.dot_dimension_numbers<[1], [1], [0], [0], [0, 0, 1, 0], [], []>, transpose_lhs_hint = false} : vector<1024x64xbf16>, vector<2048x64xbf16>, vector<1024x2048xf32> -> vector<1024x2048xf32>
    %get3A_7 = arith.constant 0 : index
    %get3A_8 = arith.constant 0 : index
    %get3A_9 = vector.load %arg3[%get3A_7, %get3A_8] : memref<1x2048xf32, #tpu.memory_space<vmem>>, vector<1x2048xf32>
    %add3A = vector.broadcast %get3A_9 : vector<1x2048xf32> to vector<1024x2048xf32>
    %add3A_10 = arith.addf %dot_general3A_6, %add3A : vector<1024x2048xf32>
    %mul3A = arith.constant 2048 : i32
    %mul3A_11 = arith.muli %arg0, %mul3A : i32
    %iota3A = tpu.iota {dimensions = array<i32: 1>} : vector<1024x2048xi32>
    %add3A_12 = vector.broadcast %mul3A_11 : i32 to vector<1024x2048xi32>
    %add3A_13 = arith.addi %add3A_12, %iota3A : vector<1024x2048xi32>
    %lt3A = arith.constant 100000 : i32
    %lt3A_14 = vector.broadcast %lt3A : i32 to vector<1024x2048xi32>
    %lt3A_15 = arith.cmpi slt, %add3A_13, %lt3A_14 : vector<1024x2048xi32>
    %exp3A = math.exp %add3A_10 : vector<1024x2048xf32>
    %jit3A = arith.constant 0.000000e+00 : f32
    %broadcast_in_dim3A = vector.broadcast %jit3A : f32 to vector<1024x2048xf32>
    %select_n3A = arith.select %lt3A_15, %exp3A, %broadcast_in_dim3A : vector<1024x2048xi1>, vector<1024x2048xf32>
    %eq3A = arith.constant 0 : i32
    %eq3A_16 = arith.cmpi eq, %arg0, %eq3A : i32
    %convert_element_type3A_17 = arith.extui %eq3A_16 : i1 to i32
    %cond3A = arith.constant 0 : i32
    %cond3A_18 = arith.cmpi ne, %convert_element_type3A_17, %cond3A : i32
    scf.if %cond3A_18 {
      %broadcast_in_dim3A_27 = arith.constant 0.000000e+00 : f32
      %broadcast_in_dim3A_28 = vector.broadcast %broadcast_in_dim3A_27 : f32 to vector<1024x1xf32>
      %swap3A_29 = arith.constant 0 : index
      %swap3A_30 = arith.constant 0 : index
      %swap3A_31 = vector.load %arg4[%swap3A_29, %swap3A_30] : memref<1024x1xf32, #tpu.memory_space<vmem>>, vector<1024x1xf32>
      tpu.vector_store %arg4[%swap3A_29, %swap3A_30], %broadcast_in_dim3A_28 {strides = array<i32>} : memref<1024x1xf32, #tpu.memory_space<vmem>>, vector<1024x1xf32>,
    } else {
    }
    %get3A_19 = arith.constant 0 : index
    %get3A_20 = arith.constant 0 : index
    %get3A_21 = vector.load %arg4[%get3A_19, %get3A_20] : memref<1024x1xf32, #tpu.memory_space<vmem>>, vector<1024x1xf32>
    %reduce_sum3A = arith.constant dense<0.000000e+00> : vector<1024xf32>
    %reduce_sum3A_22 = vector.multi_reduction <add>, %select_n3A, %reduce_sum3A [1] : vector<1024x2048xf32> to vector<1024xf32>
    %broadcast_in_dim3A_23 = vector.shape_cast %reduce_sum3A_22 : vector<1024xf32> to vector<1024x1xf32>
    %add3A_24 = arith.addf %get3A_21, %broadcast_in_dim3A_23 : vector<1024x1xf32>
    %swap3A = arith.constant 0 : index
    %swap3A_25 = arith.constant 0 : index
    %swap3A_26 = vector.load %arg4[%swap3A, %swap3A_25] : memref<1024x1xf32, #tpu.memory_space<vmem>>, vector<1024x1xf32>
    tpu.vector_store %arg4[%swap3A, %swap3A_25], %add3A_24 {strides = array<i32>} : memref<1024x1xf32, #tpu.memory_space<vmem>>, vector<1024x1xf32>,
    return
  }
  func.func @transform_0(%arg0: i32) -> (i32, i32) {
    %c0_i32 = arith.constant 0 : i32
    %c0_i32_0 = arith.constant 0 : i32
    %c0_i32_1 = arith.constant 0 : i32
    return %c0_i32, %c0_i32_0 : i32, i32
  }
  func.func @transform_1(%arg0: i32) -> (i32, i32) {
    %c0_i32 = arith.constant 0 : i32
    %c0_i32_0 = arith.constant 0 : i32
    return %arg0, %c0_i32 : i32, i32
  }
  func.func @transform_2(%arg0: i32) -> (i32, i32) {
    %c0_i32 = arith.constant 0 : i32
    %c0_i32_0 = arith.constant 0 : i32
    return %c0_i32, %arg0 : i32, i32
  }
  func.func @transform_3(%arg0: i32) -> (i32, i32) {
    %c0_i32 = arith.constant 0 : i32
    %c0_i32_0 = arith.constant 0 : i32
    %c0_i32_1 = arith.constant 0 : i32
    return %c0_i32, %c0_i32_0 : i32, i32
  }
}

module attributes {stable_mosaic.version = 14 : i64} {
  func.func @_out_body(%arg0: i32, %arg1: memref<1024x64xf32, #tpu.memory_space<vmem>>, %arg2: memref<2048x64xf32, #tpu.memory_space<vmem>>, %arg3: memref<1x2048xf32, #tpu.memory_space<vmem>>, %arg4: memref<1024x1xf32, #tpu.memory_space<vmem>>, %arg5: memref<1024x2048xf32, #tpu.memory_space<vmem>>) attributes {dimension_semantics = [#tpu.dimension_semantics<arbitrary>], iteration_bounds = array<i64: 49>, scalar_prefetch = 0 : i64, scratch_operands = 0 : i64, tpu.core_type = #tpu.core_type<tc>, window_params = [{pipeline_mode = #tpu.pipeline_mode<synchronous>, transform_indices = @transform_0, window_bounds = array<i64: 1024, 64>}, {transform_indices = @transform_1, window_bounds = array<i64: 2048, 64>}, {transform_indices = @transform_2, window_bounds = array<i64: 1, 2048>}, {pipeline_mode = #tpu.pipeline_mode<synchronous>, transform_indices = @transform_3, window_bounds = array<i64: 1024, 1>}, {transform_indices = @transform_4, window_bounds = array<i64: 1024, 2048>}]} {
    %get3A = arith.constant 0 : index
    %get3A_0 = arith.constant 0 : index
    %get3A_1 = vector.load %arg1[%get3A, %get3A_0] : memref<1024x64xf32, #tpu.memory_space<vmem>>, vector<1024x64xf32>
    %get3A_2 = arith.constant 0 : index
    %get3A_3 = arith.constant 0 : index
    %get3A_4 = vector.load %arg2[%get3A_2, %get3A_3] : memref<2048x64xf32, #tpu.memory_space<vmem>>, vector<2048x64xf32>
    %dot_general3A = arith.constant dense<0.000000e+00> : vector<1024x2048xf32>
    %dot_general3A_5 = tpu.matmul %get3A_1, %get3A_4, %dot_general3A {dimension_numbers = #tpu.dot_dimension_numbers<[1], [1], [0], [0], [0, 0, 1, 0], [], []>, transpose_lhs_hint = false} : vector<1024x64xf32>, vector<2048x64xf32>, vector<1024x2048xf32> -> vector<1024x2048xf32>
    %get3A_6 = arith.constant 0 : index
    %get3A_7 = arith.constant 0 : index
    %get3A_8 = vector.load %arg3[%get3A_6, %get3A_7] : memref<1x2048xf32, #tpu.memory_space<vmem>>, vector<1x2048xf32>
    %add3A = vector.broadcast %get3A_8 : vector<1x2048xf32> to vector<1024x2048xf32>
    %add3A_9 = arith.addf %dot_general3A_5, %add3A : vector<1024x2048xf32>
    %get3A_10 = arith.constant 0 : index
    %get3A_11 = arith.constant 0 : index
    %get3A_12 = vector.load %arg4[%get3A_10, %get3A_11] : memref<1024x1xf32, #tpu.memory_space<vmem>>, vector<1024x1xf32>
    %log3A = math.log %get3A_12 : vector<1024x1xf32>
    %sub3A = vector.broadcast %log3A : vector<1024x1xf32> to vector<1024x2048xf32>
    %sub3A_13 = arith.subf %add3A_9, %sub3A : vector<1024x2048xf32>
    %swap3A = arith.constant 0 : index
    %swap3A_14 = arith.constant 0 : index
    %swap3A_15 = vector.load %arg5[%swap3A, %swap3A_14] : memref<1024x2048xf32, #tpu.memory_space<vmem>>, vector<1024x2048xf32>
    tpu.vector_store %arg5[%swap3A, %swap3A_14], %sub3A_13 {strides = array<i32>} : memref<1024x2048xf32, #tpu.memory_space<vmem>>, vector<1024x2048xf32>,
    return
  }
  func.func @transform_0(%arg0: i32) -> (i32, i32) {
    %c0_i32 = arith.constant 0 : i32
    %c0_i32_0 = arith.constant 0 : i32
    %c0_i32_1 = arith.constant 0 : i32
    return %c0_i32, %c0_i32_0 : i32, i32
  }
  func.func @transform_1(%arg0: i32) -> (i32, i32) {
    %c0_i32 = arith.constant 0 : i32
    %c0_i32_0 = arith.constant 0 : i32
    return %arg0, %c0_i32 : i32, i32
  }
  func.func @transform_2(%arg0: i32) -> (i32, i32) {
    %c0_i32 = arith.constant 0 : i32
    %c0_i32_0 = arith.constant 0 : i32
    return %c0_i32, %arg0 : i32, i32
  }
  func.func @transform_3(%arg0: i32) -> (i32, i32) {
    %c0_i32 = arith.constant 0 : i32
    %c0_i32_0 = arith.constant 0 : i32
    %c0_i32_1 = arith.constant 0 : i32
    return %c0_i32, %c0_i32_0 : i32, i32
  }
  func.func @transform_4(%arg0: i32) -> (i32, i32) {
    %c0_i32 = arith.constant 0 : i32
    %c0_i32_0 = arith.constant 0 : i32
    return %c0_i32, %arg0 : i32, i32
  }
}

</mosaic_0001>

<sc_bundles>
// kernel: kernel.5.cloned.1.call-start
scs
__scs_entry_jumppad:
0x0: {  	(pc) =	sbr.rel $0x88, $3  }
0x1: {  	(tag) =	ssettag $0x0;
	lr =	simm.s32 $0x1  }
0x2: {  	[smem:$0x3F9B] =	sst lr;
	_ =	strace $0xD0000000  }
0x3: {  	_ = 	snop  }
0x4: {  	_ = 	snop  }
0x5: {  	_ = 	snop  }
0x6: {  	_ = 	snop  }
0x7: {  	_ = 	snop  }
__scs_overlays_trampoline_lowered:
0x8: {  	[smem:$0x3FAA] =	sst s0  }
0x9: {  	[smem:$0x3FAB] =	sst s1  }
0xa: {  	[smem:$0x3FAC] =	sst s2  }
0xb: {  	[smem:$0x3FAD] =	sst s3  }
0xc: {  	[smem:$0x3FAE] =	sst s4  }
0xd: {  	[smem:$0x3FAF] =	sst s5  }
0xe: {  	[smem:$0x3FB0] =	sst s6  }
0xf: {  	[smem:$0x3FB1] =	sst s7  }
0x10: {  	[smem:$0x3FB2] =	sst s8  }
0x11: {  	[smem:$0x3FB3] =	sst s9;
	s0 =	simm.s32 @!p0 $0x0  }
0x12: {  	s1 =	sld [smem:$0x3F99];
	s0 =	simm.s32 @p0 $0x1  }
0x13: {  	[smem:$0x3FB4] =	sst s0;
	s0 =	simm.s32 @!p1 $0x0  }
0x14: {  	s2 =	sld [smem:$0x3F98];
	s0 =	simm.s32 @p1 $0x1  }
0x15: {  	[smem:$0x3FB5] =	sst s0;
	s0 =	simm.s32 @!p2 $0x0  }
0x16: {  	s3 =	sld [smem:$0x3FDB];
	s0 =	simm.s32 @p2 $0x1  }
0x17: {  	s4 =	simm.s32 $0x1BF5;
	[smem:$0x3FB7] =	sst s0  }
0x18: {  	s0 =	sld [smem:$0x3F9A];
	_ =	swait.ge [sflag:s4], $0x0  }
0x19: {  	s7 =	sld [smem:$0x3F9B]  }
0x1a: {  	s8 =	sadd.s32 $0xFFFFE003, lr  }
0x1b: {  	s9 =	sadd.s32 $0xFFFFFEF7, lr;
	s5 =	simm.s32 $0xFFFFFFFF;
	p2 =	slt.u32 s8, $0xFFFFF086  }
0x1c: {  	p1 =	slt.u32 s9, $0xF7A;
	s5 =	simm.s32 @!p2 $0x0  }
0x1d: {  	s5 =	simm.s32 @p1 $0x1;
	p0 =	seq.s32 s7, s2  }
0x1e: {  	s7 =	smul.u32 @!p0 $0xF7A, s2;
	p2 =	seq.s32 @!p0 s5, $0x0  }
0x1f: {  	s9 =	smul.u32 $0xF7A, s1;
	s8 =	simm.s32 @!p0 $0x1BF5;
	p2 =	por !p2, p0  }
0x20: {  	[sflag:s8] =	ssyncset.s32 @!p0 $0xFFFFF086;
	s6 =	sadd.s32 @!p0 s3, s7;
	s7 =	simm.s32 @!p0 $0x108  }
0x21: {  	s3 =	sadd.s32 s3, s9;
	s6 =	sadd.s32 @!p0 $0x88, s6;
	s7 =	simm.s32 @p2 $0x1082  }
0x22: {  	[simem:s7], [sflag:s8] =	dma.local @!p0 [hbm:s6], $0xF7A  }
0x23: {  	s9 =	sor.u32 $0xD0000000, s2;
	s6 =	simm.s32 $0x108;
	_ =	swait.ge @!p0 [sflag:s8], $0x0  }
0x24: {  	s3 =	sadd.s32 $0x88, s3;
	s6 =	simm.s32 @!p1 $0x1082;
	[sflag:s4] =	ssyncset.s32 $0xFFFFF086  }
0x25: {  	[simem:s6], [sflag:s4] =	dma.local [hbm:s3], $0xF7A  }
0x26: {  	[smem:$0x3F9B] =	sst s1;
	(tag) =	ssettag s2;
	_ =	strace s9  }
0x27: {  	s1 =	sld [smem:$0x3FAB]  }
0x28: {  	s2 =	sld [smem:$0x3FAC]  }
0x29: {  	s4 =	sld [smem:$0x3FAE]  }
0x2a: {  	p0 =	seq.s32 s5, $0x0;
	s5 =	sld [smem:$0x3FAF]  }
0x2b: {  	s6 =	sld [smem:$0x3FB0]  }
0x2c: {  	s7 =	sld [smem:$0x3FB1]  }
0x2d: {  	s3 =	simm.s32 $0x108;
	s8 =	sld [smem:$0x3FB2]  }
0x2e: {  	s3 =	simm.s32 @!p0 $0x1082;
	s9 =	sld [smem:$0x3FB3]  }
0x2f: {  	lr =	sadd.s32 s0, s3;
	s0 =	sld [smem:$0x3FAA]  }
0x30: {  	s3 =	sld [smem:$0x3FAD]  }
0x31: {  	[smem:$0x3FB6] =	sst s10  }
0x32: {  	s10 =	sld [smem:$0x3FB4];
	_ =	sdelay $0x3  }
0x33: {  	p0 =	seq.s32 s10, $0x1;
	s10 =	sld [smem:$0x3FB6];
	_ =	sdelay $0x3  }
0x34: {  	[smem:$0x3FB6] =	sst s10  }
0x35: {  	s10 =	sld [smem:$0x3FB5];
	_ =	sdelay $0x3  }
0x36: {  	p1 =	seq.s32 s10, $0x1;
	s10 =	sld [smem:$0x3FB6];
	_ =	sdelay $0x3  }
0x37: {  	[smem:$0x3FB6] =	sst s10  }
0x38: {  	s10 =	sld [smem:$0x3FB7]  }
0x39: {  	_ = 	snop;
	(pc) =	sbr.ind lr, $3  }
0x3a: {  	_ = 	snop  }
0x3b: {  	_ = 	snop  }
0x3c: {  	p2 =	seq.s32 s10, $0x1;
	s10 =	sld [smem:$0x3FB6]  }
0x3d: {  	_ =	shalt  }
0x3e: {  	_ =	shalt  }
0x3f: {  	_ =	shalt  }
0x40: {  	_ =	shalt  }
0x41: {  	_ =	shalt  }
0x42: {  	_ =	shalt  }
0x43: {  	_ =	shalt  }
0x44: {  	_ =	shalt  }
0x45: {  	_ =	shalt  }
0x46: {  	_ =	shalt  }
0x47: {  	_ =	shalt  }
0x48: {  	_ =	shalt  }
0x49: {  	_ =	shalt  }
0x4a: {  	_ =	shalt  }
0x4b: {  	_ =	shalt  }
0x4c: {  	_ =	shalt  }
0x4d: {  	_ =	shalt  }
0x4e: {  	_ =	shalt  }
0x4f: {  	_ =	shalt  }
0x50: {  	_ =	shalt  }
0x51: {  	_ =	shalt  }
0x52: {  	_ =	shalt  }
0x53: {  	_ =	shalt  }
0x54: {  	_ =	shalt  }
0x55: {  	_ =	shalt  }
0x56: {  	_ =	shalt  }
0x57: {  	_ =	shalt  }
0x58: {  	_ =	shalt  }
0x59: {  	_ =	shalt  }
0x5a: {  	_ =	shalt  }
0x5b: {  	_ =	shalt  }
0x5c: {  	_ =	shalt  }
0x5d: {  	_ =	shalt  }
0x5e: {  	_ =	shalt  }
0x5f: {  	_ =	shalt  }
0x60: {  	_ =	shalt  }
0x61: {  	_ =	shalt  }
0x62: {  	_ =	shalt  }
0x63: {  	_ =	shalt  }
0x64: {  	_ =	shalt  }
0x65: {  	_ =	shalt  }
0x66: {  	_ =	shalt  }
0x67: {  	_ =	shalt  }
0x68: {  	_ =	shalt  }
0x69: {  	_ =	shalt  }
0x6a: {  	_ =	shalt  }
0x6b: {  	_ =	shalt  }
0x6c: {  	_ =	shalt  }
0x6d: {  	_ =	shalt  }
0x6e: {  	_ =	shalt  }
0x6f: {  	_ =	shalt  }
0x70: {  	_ =	shalt  }
0x71: {  	_ =	shalt  }
0x72: {  	_ =	shalt  }
0x73: {  	_ =	shalt  }
0x74: {  	_ =	shalt  }
0x75: {  	_ =	shalt  }
0x76: {  	_ =	shalt  }
0x77: {  	_ =	shalt  }
0x78: {  	_ =	shalt  }
0x79: {  	_ =	shalt  }
0x7a: {  	_ =	shalt  }
0x7b: {  	_ =	shalt  }
0x7c: {  	_ =	shalt  }
0x7d: {  	_ =	shalt  }
0x7e: {  	_ =	shalt  }
0x7f: {  	_ =	shalt  }
0x80: {  	_ =	shalt  }
0x81: {  	_ =	shalt  }
0x82: {  	_ =	shalt  }
0x83: {  	_ =	shalt  }
0x84: {  	_ =	shalt  }
0x85: {  	_ =	shalt  }
0x86: {  	_ =	shalt  }
0x87: {  	_ =	shalt  }
.Lfunc_end0:
.L_simem_size_0:
called_computation_lowered:
.L_overlay_start_0:
0x88: {  	s2 =	sld [smem:$0x3FD9]  }
0x89: {  	s3 =	sld [smem:$0x3FFE];
	_ =	sdelay $0x1  }
0x8a: {  	s1 =	srdreg.scid  }
0x8b: {  	s0 =	sand.u32 $0x1, s1  }
0x8c: {  	s17 =	sshll.u32 s0, $0xA;
	s2 =	sadd.s32 s3, s2  }
0x8d: {  	s2 =	sadd.s32 s2, s17  }
0x8e: {  	[smem:$0x3FC2] =	sst s2  }
0x8f: {  	_ = 	snop  }
0x90: {  	s2 =	sld [smem:$0x3FC8]  }
0x91: {  	s18 =	sld [smem:$0x3FD0];
	(tm) =	ssettm $0x1  }
0x92: {  	s4 =	sld [smem:$0x3FFB];
	_ =	sdelay $0x3  }
0x93: {  	_ =	strace s4  }
0x94: {  	s4 =	sld [smem:$0x3FFC];
	_ =	sdelay $0x3  }
0x95: {  	_ =	strace s4  }
0x96: {  	s4 =	sld [smem:$0x3FFD];
	_ =	sdelay $0x3  }
0x97: {  	_ =	strace s4  }
0x98: {  	_ =	strace $0x8FFFFFFF  }
0x99: {  	s19 =	sld [smem:$0x3FDB];
	_ =	sdelay $0x1  }
0x9a: {  	s5 =	simm.s32 $_scs_section_size  }
0x9b: {  	s6 =	simm.s32 $_size__tile_overlayer_lowered;
	s7 =	simm.s32 $_tile_overlayer_lowered  }
0x9c: {  	s22 =	simm.s32 $0x1BFF;
	s21 =	sshll.u32 s7, $0x1;
	s4 =	sadd.s32 s5, s19  }
0x9d: {  	s8 =	simm.s32 $0x0;
	s20 =	sshll.u32 s6, $0x1;
	s6 =	sadd.s32 s21, s4  }
0x9e: {  	[timem:s8], [sflag:s22] =	dma.local [hbm:s6], s20  }
0x9f: {  	_ =	swait.ge [sflag:s22], s20  }
0xa0: {  	s5 =	ssub.s32 $0x0, s20;
	[sflag:s22] =	ssyncset.done $0x0  }
0xa1: {  	[sflag:s22] =	ssyncadd.s32 s5;
	_ =	sdelay $0x1  }
0xa2: {  	s23 =	simm.s32 $0x1B8B  }
0xa3: {  	_ =	swait.ge [sflag:s23], $0x1  }
0xa4: {  	[sflag:s23] =	ssyncset.done $0x0  }
0xa5: {  	s25 =	simm.s32 $0x1B8E;
	s24 =	sld [smem:$0x3FFE];
	[sflag:s23] =	ssyncadd.s32 $0xFFFFFFFF  }
0xa6: {  	s26 =	simm.s32 $execute0_lowered;
	[smem:$0x3FD2] =	sst s25  }
0xa7: {  	s6 =	sshll.u32 s26, $0x1;
	_ =	strace $0x80000046;
	[dreg:$0x1] =	wrdreg $0xFFFFFFFF  }
0xa8: {  	s28 =	simm.s32 $_size_execute0_lowered;
	s4 =	sadd.s32 s4, s6;
	[dreg:$0x0] =	wrdreg $0x0  }
0xa9: {  	s6 =	sshll.u32 s28, $0x1;
	[dreg:$0x2] =	wrdreg s4  }
0xaa: {  	[dreg:$0x3] =	wrdreg s6  }
0xab: {  	[dreg:$0x4] =	wrdreg $0xC0  }
0xac: {  	_ =	task [dreg:s8], $0x5FFFF  }
0xad: {  	[dreg:$0x1] =	wrdreg $0xFFFFFFFF  }
0xae: {  	[dreg:$0x0] =	wrdreg $0x60  }
0xaf: {  	[dreg:$0x2] =	wrdreg s2  }
0xb0: {  	[dreg:$0x3] =	wrdreg s24  }
0xb1: {  	[dreg:$0x4] =	wrdreg s18  }
0xb2: {  	[dreg:$0x5] =	wrdreg $0x9  }
0xb3: {  	_ =	task.clear_ibuf [dreg:s8], $0x6FFFF;
	_ =	strace $0x90000046  }
0xb4: {  	s29 =	simm.s32 $0x9;
	_ =	strace $0x80000048  }
0xb5: {  	_ =	swait.ge [sflag:s29], $0x1  }
0xb6: {  	[sflag:s29] =	ssyncadd.s32 $0xFFFFFFFF  }
0xb7: {  	_ =	strace $0x90000048  }
0xb8: {  	_ =	sfence  }
0xb9: {  	s30 =	sld [smem:$0x0];
	_ =	sdelay $0x2  }
0xba: {  	s31 =	sshll.u32 s1, $0xD;
	s1 =	sshrl.u32 s1, $0x2  }
0xbb: {  	s3 =	sand.u32 $0x4000, s31;
	s1 =	sadd.s32 s1, s30  }
0xbc: {  	s0 =	sor.u32 s3, s0;
	s1 =	sshll.u32 s1, $0x11  }
0xbd: {  	s0 =	sor.u32 s1, s0  }
0xbe: {  	s0 =	sadd.s32 $0x8F2B, s0  }
0xbf: {  	[sflag:s0] =	ssyncadd.remote.s32 $0x1  }
0xc0: {  	_ =	sfence.sel $0xFFFF  }
0xc1: {  	[dreg:$0x0] =	wrdreg $0xFFFFFFFF;
	(pc) =	sbr.abs _section_cstart, $3  }
0xc2: {  	[dreg:$0x1] =	wrdreg $0xFFFFFFFF  }
0xc3: {  	_ =	task.clear_ibuf [dreg:s8], $0x2FFFF;
	_ =	strace $0x9FFFFFFF  }
0xc4: {  	(tm) =	ssettm $0x7FFFFFFF  }
0xc5: {  	_ =	shalt  }
tec
execute0_lowered:
.L_overlay_start_1:
0x0: {  	(tag) =	ssettag $0x1  }
0x1: {  	s5 =	rddreg [dreg:$0x0]  }
0x2: {  	s1 =	srdreg.scid;
	s6 =	rddreg [dreg:$0x1]  }
0x3: {  	s0 =	stileid.u32;
	s2 =	rddreg [dreg:$0x2]  }
0x4: {  	s3 =	simm.s32 $0x0;
	s12 =	simm.s32 $0x1;
	s13 =	simm.s32 $0x80  }
0x5: {  	s14 =	simm.s32 $0xAA0;
	s15 =	simm.s32 $0xA0;
	s16 =	simm.s32 $0x2AA0  }
0x6: {  	s17 =	simm.s32 $0x120;
	s18 =	simm.s32 $0x4AA0;
	s19 =	simm.s32 $0x1A0  }
0x7: {  	s20 =	simm.s32 $0x6AA0;
	s21 =	simm.s32 $0x220;
	s22 =	simm.s32 $0x8AA0  }
0x8: {  	s23 =	simm.s32 $0xAAA0;
	s7 =	sand.u32 $0x1, s1;
	s1 =	rddreg [dreg:$0x3]  }
0x9: {  	s24 =	simm.s32 $0x0;
	s30 =	sshll.u32 s0, $0x1;
	[smem:$0x7FF] =	sst s3  }
0xa: {  	s8 =	sor.u32 s7, s30;
	_ =	strace $0x80000047;
	s7 =	ssub.s32 $0x2, s7  }
0xb: {  	s4 =	smul.u32 $0x50, s8;
	s10 =	sshll.u32 s8, $0x8;
	s31 =	sshrl.u32 s7, $0x1  }
0xc: {  	s8 =	sshll.u32 s8, $0x2;
	s10 =	sadd.s32 s10, s6;
	s11 =	ssub.s32 s7, s31  }
0xd: {  	s5 =	sadd.s32 s5, s8;
	s9 =	sadd.s32 s4, s6;
	s4 =	sadd.s32 $0x187600, s6  }
0xe: {  	s7 =	sadd.s32 $0x1600, s10;
	s8 =	smax.u32 s11, $0x1;
	s10 =	simm.s32 $0x20  }
0xf: {  	s11 =	simm.s32 $0x2A0;
	s6 =	sadd.s32 $0xC00, s9;
	s9 =	simm.s32 $0x2  }
.LBB2_1:
0x10: {  	[tilespmem:s3], [sflag:$0x2] =	stream.linear.gather [hbm4b:s5+s3], $0x20, $0x38;
	[tilespmem:$0xB2A0] =	vst v63  }
0x11: {  	_ =	swait.ge [sflag:s9], $0x20  }
0x12: {  	[sflag:s9] =	ssyncset.done $0x0  }
0x13: {  	[sflag:s9] =	ssyncadd.s32 $0xFFFFFFE0  }
0x14: {  	[tilespmem:s10], [sflag:$0x2] =	stream.linear.gather [hbm4b:s6+s3], $0x280, $0x38;
	[tilespmem:$0xB2A0] =	vst v63  }
0x15: {  	_ =	swait.ge [sflag:s9], $0x280  }
0x16: {  	[sflag:s9] =	ssyncset.done $0x0  }
0x17: {  	[sflag:s9] =	ssyncadd.s32 $0xFFFFFD80  }
0x18: {  	[tilespmem:s11], [sflag:$0x1] =	stream.indirect.gather [hbm4b:s2+s10], $0x40, s3, s10, $0xb8;
	[tilespmem:$0xB2A0] =	vst v63  }
0x19: {  	_ =	swait.ge [sflag:s12], $0x800  }
0x1a: {  	[sflag:s12] =	ssyncset.done $0x0  }
0x1b: {  	[sflag:s12] =	ssyncadd.s32 $0xFFFFF800  }
0x1c: {  	[tilespmem:s14], [sflag:$0x1] =	stream.indirect.gather [hbm4b:s4+s13], $0x40, s10, s13, $0xb8;
	[tilespmem:$0xB2A0] =	vst v63  }
0x1d: {  	_ =	swait.ge [sflag:s12], $0x2000  }
0x1e: {  	[sflag:s12] =	ssyncset.done $0x0  }
0x1f: {  	[sflag:s12] =	ssyncadd.s32 $0xFFFFE000  }
0x20: {  	[tilespmem:s16], [sflag:$0x1] =	stream.indirect.gather [hbm4b:s4+s13], $0x40, s15, s13, $0xb8;
	[tilespmem:$0xB2A0] =	vst v63  }
0x21: {  	_ =	swait.ge [sflag:s12], $0x2000  }
0x22: {  	[sflag:s12] =	ssyncset.done $0x0  }
0x23: {  	[sflag:s12] =	ssyncadd.s32 $0xFFFFE000  }
0x24: {  	[tilespmem:s18], [sflag:$0x1] =	stream.indirect.gather [hbm4b:s4+s13], $0x40, s17, s13, $0xb8;
	[tilespmem:$0xB2A0] =	vst v63  }
0x25: {  	_ =	swait.ge [sflag:s12], $0x2000  }
0x26: {  	[sflag:s12] =	ssyncset.done $0x0  }
0x27: {  	[sflag:s12] =	ssyncadd.s32 $0xFFFFE000  }
0x28: {  	[tilespmem:s20], [sflag:$0x1] =	stream.indirect.gather [hbm4b:s4+s13], $0x40, s19, s13, $0xb8;
	[tilespmem:$0xB2A0] =	vst v63  }
0x29: {  	_ =	swait.ge [sflag:s12], $0x2000  }
0x2a: {  	[sflag:s12] =	ssyncset.done $0x0  }
0x2b: {  	[sflag:s12] =	ssyncadd.s32 $0xFFFFE000  }
0x2c: {  	[tilespmem:s22], [sflag:$0x1] =	stream.indirect.gather [hbm4b:s4+s13], $0x40, s21, s13, $0xb8;
	[tilespmem:$0xB2A0] =	vst v63  }
0x2d: {  	_ =	swait.ge [sflag:s12], $0x2000  }
0x2e: {  	[sflag:s12] =	ssyncset.done $0x0  }
0x2f: {  	s25 =	simm.s32 $0x0;
	[sflag:s12] =	ssyncadd.s32 $0xFFFFE000  }
0x30: {  	s26 =	simm.s32 $0xD20;
	v0 =	vld [tilespmem:s25+$0x2A0]  }
0x31: {  	v1 =	vld [tilespmem:s26+$0xFFFFFD80];
	_ =	sdelay $0x1  }
0x32: {  	v2 =	vld [tilespmem:s26+$0xFFFFFDC0];
	_ =	sdelay $0x1  }
0x33: {  	v3 =	vld [tilespmem:s26+$0xFFFFFE00]  }
0x34: {  	v0 =	vadd.f32 v1, v0  }
0x35: {  	v1 =	vld [tilespmem:s26+$0xFFFFFE40]  }
0x36: {  	v0 =	vadd.f32 v2, v0  }
0x37: {  	v2 =	vld [tilespmem:s26+$0xFFFFFE80]  }
0x38: {  	v0 =	vadd.f32 v3, v0  }
0x39: {  	v3 =	vld [tilespmem:s26+$0xFFFFFEC0]  }
0x3a: {  	v0 =	vadd.f32 v1, v0  }
0x3b: {  	v1 =	vld [tilespmem:s26+$0xFFFFFF00]  }
0x3c: {  	v0 =	vadd.f32 v2, v0  }
0x3d: {  	v2 =	vld [tilespmem:s26+$0xFFFFFF40]  }
0x3e: {  	v0 =	vadd.f32 v3, v0  }
0x3f: {  	v3 =	vld [tilespmem:s26+$0xFFFFFF80]  }
0x40: {  	v0 =	vadd.f32 v1, v0  }
0x41: {  	v1 =	vld [tilespmem:s26+$0xFFFFFFC0]  }
0x42: {  	v0 =	vadd.f32 v2, v0  }
0x43: {  	v2 =	vld [tilespmem:s26+$0x0]  }
0x44: {  	v0 =	vadd.f32 v3, v0  }
0x45: {  	v3 =	vld [tilespmem:s26+$0x40]  }
0x46: {  	v0 =	vadd.f32 v1, v0  }
0x47: {  	v1 =	vld [tilespmem:s26+$0x80]  }
0x48: {  	v0 =	vadd.f32 v2, v0  }
0x49: {  	v2 =	vld [tilespmem:s26+$0xC0]  }
0x4a: {  	v0 =	vadd.f32 v3, v0  }
0x4b: {  	v3 =	vld [tilespmem:s26+$0x100]  }
0x4c: {  	v0 =	vadd.f32 v1, v0  }
0x4d: {  	v1 =	vld [tilespmem:s26+$0x140]  }
0x4e: {  	v0 =	vadd.f32 v2, v0  }
0x4f: {  	v2 =	vld [tilespmem:s26+$0x180]  }
0x50: {  	v0 =	vadd.f32 v3, v0  }
0x51: {  	v3 =	vld [tilespmem:s26+$0x1C0]  }
0x52: {  	v0 =	vadd.f32 v1, v0  }
0x53: {  	v1 =	vld [tilespmem:s26+$0x200]  }
0x54: {  	v0 =	vadd.f32 v2, v0  }
0x55: {  	v2 =	vld [tilespmem:s26+$0x240]  }
0x56: {  	v0 =	vadd.f32 v3, v0;
	_ =	sdelay $0x1  }
0x57: {  	v0 =	vadd.f32 v1, v0;
	_ =	sdelay $0x1  }
0x58: {  	v0 =	vadd.f32 v2, v0;
	_ =	sdelay $0x1  }
0x59: {  	v0 =	vmul.f32 $4.761904850e-02, v0;
	_ =	sdelay $0x1  }
0x5a: {  	[tilespmem:s25+$0xAAA0] =	vst v0;
	v0 =	vld [tilespmem:s25+$0x2B0]  }
0x5b: {  	v1 =	vld [tilespmem:s26+$0xFFFFFD90];
	_ =	sdelay $0x1  }
0x5c: {  	v2 =	vld [tilespmem:s26+$0xFFFFFDD0];
	_ =	sdelay $0x1  }
0x5d: {  	v3 =	vld [tilespmem:s26+$0xFFFFFE10]  }
0x5e: {  	v0 =	vadd.f32 v1, v0  }
0x5f: {  	v1 =	vld [tilespmem:s26+$0xFFFFFE50]  }
0x60: {  	v0 =	vadd.f32 v2, v0  }
0x61: {  	v2 =	vld [tilespmem:s26+$0xFFFFFE90]  }
0x62: {  	v0 =	vadd.f32 v3, v0  }
0x63: {  	v3 =	vld [tilespmem:s26+$0xFFFFFED0]  }
0x64: {  	v0 =	vadd.f32 v1, v0  }
0x65: {  	v1 =	vld [tilespmem:s26+$0xFFFFFF10]  }
0x66: {  	v0 =	vadd.f32 v2, v0  }
0x67: {  	v2 =	vld [tilespmem:s26+$0xFFFFFF50]  }
0x68: {  	v0 =	vadd.f32 v3, v0  }
0x69: {  	v3 =	vld [tilespmem:s26+$0xFFFFFF90]  }
0x6a: {  	v0 =	vadd.f32 v1, v0  }
0x6b: {  	v1 =	vld [tilespmem:s26+$0xFFFFFFD0]  }
0x6c: {  	v0 =	vadd.f32 v2, v0  }
0x6d: {  	v2 =	vld [tilespmem:s26+$0x10]  }
0x6e: {  	v0 =	vadd.f32 v3, v0  }
0x6f: {  	v3 =	vld [tilespmem:s26+$0x50]  }
0x70: {  	v0 =	vadd.f32 v1, v0  }
0x71: {  	v1 =	vld [tilespmem:s26+$0x90]  }
0x72: {  	v0 =	vadd.f32 v2, v0  }
0x73: {  	v2 =	vld [tilespmem:s26+$0xD0]  }
0x74: {  	v0 =	vadd.f32 v3, v0  }
0x75: {  	v3 =	vld [tilespmem:s26+$0x110]  }
0x76: {  	v0 =	vadd.f32 v1, v0  }
0x77: {  	v1 =	vld [tilespmem:s26+$0x150]  }
0x78: {  	v0 =	vadd.f32 v2, v0  }
0x79: {  	v2 =	vld [tilespmem:s26+$0x190]  }
0x7a: {  	v0 =	vadd.f32 v3, v0  }
0x7b: {  	v3 =	vld [tilespmem:s26+$0x1D0]  }
0x7c: {  	v0 =	vadd.f32 v1, v0  }
0x7d: {  	v1 =	vld [tilespmem:s26+$0x210]  }
0x7e: {  	v0 =	vadd.f32 v2, v0  }
0x7f: {  	v2 =	vld [tilespmem:s26+$0x250]  }
0x80: {  	v0 =	vadd.f32 v3, v0;
	_ =	sdelay $0x1  }
0x81: {  	v0 =	vadd.f32 v1, v0;
	_ =	sdelay $0x1  }
0x82: {  	v0 =	vadd.f32 v2, v0;
	_ =	sdelay $0x1  }
0x83: {  	v0 =	vmul.f32 $4.761904850e-02, v0;
	_ =	sdelay $0x1  }
0x84: {  	[tilespmem:s25+$0xAAB0] =	vst v0;
	v0 =	vld [tilespmem:s25+$0x2C0]  }
0x85: {  	v1 =	vld [tilespmem:s26+$0xFFFFFDA0];
	_ =	sdelay $0x1  }
0x86: {  	v2 =	vld [tilespmem:s26+$0xFFFFFDE0];
	_ =	sdelay $0x1  }
0x87: {  	v3 =	vld [tilespmem:s26+$0xFFFFFE20]  }
0x88: {  	v0 =	vadd.f32 v1, v0  }
0x89: {  	v1 =	vld [tilespmem:s26+$0xFFFFFE60]  }
0x8a: {  	v0 =	vadd.f32 v2, v0  }
0x8b: {  	v2 =	vld [tilespmem:s26+$0xFFFFFEA0]  }
0x8c: {  	v0 =	vadd.f32 v3, v0  }
0x8d: {  	v3 =	vld [tilespmem:s26+$0xFFFFFEE0]  }
0x8e: {  	v0 =	vadd.f32 v1, v0  }
0x8f: {  	v1 =	vld [tilespmem:s26+$0xFFFFFF20]  }
0x90: {  	v0 =	vadd.f32 v2, v0  }
0x91: {  	v2 =	vld [tilespmem:s26+$0xFFFFFF60]  }
0x92: {  	v0 =	vadd.f32 v3, v0  }
0x93: {  	v3 =	vld [tilespmem:s26+$0xFFFFFFA0]  }
0x94: {  	v0 =	vadd.f32 v1, v0  }
0x95: {  	v1 =	vld [tilespmem:s26+$0xFFFFFFE0]  }
0x96: {  	v0 =	vadd.f32 v2, v0  }
0x97: {  	v2 =	vld [tilespmem:s26+$0x20]  }
0x98: {  	v0 =	vadd.f32 v3, v0  }
0x99: {  	v3 =	vld [tilespmem:s26+$0x60]  }
0x9a: {  	v0 =	vadd.f32 v1, v0  }
0x9b: {  	v1 =	vld [tilespmem:s26+$0xA0]  }
0x9c: {  	v0 =	vadd.f32 v2, v0  }
0x9d: {  	v2 =	vld [tilespmem:s26+$0xE0]  }
0x9e: {  	v0 =	vadd.f32 v3, v0  }
0x9f: {  	v3 =	vld [tilespmem:s26+$0x120]  }
0xa0: {  	v0 =	vadd.f32 v1, v0  }
0xa1: {  	v1 =	vld [tilespmem:s26+$0x160]  }
0xa2: {  	v0 =	vadd.f32 v2, v0  }
0xa3: {  	v2 =	vld [tilespmem:s26+$0x1A0]  }
0xa4: {  	v0 =	vadd.f32 v3, v0  }
0xa5: {  	v3 =	vld [tilespmem:s26+$0x1E0]  }
0xa6: {  	v0 =	vadd.f32 v1, v0  }
0xa7: {  	v1 =	vld [tilespmem:s26+$0x220]  }
0xa8: {  	v0 =	vadd.f32 v2, v0  }
0xa9: {  	v2 =	vld [tilespmem:s26+$0x260]  }
0xaa: {  	v0 =	vadd.f32 v3, v0;
	_ =	sdelay $0x1  }
0xab: {  	v0 =	vadd.f32 v1, v0;
	_ =	sdelay $0x1  }
0xac: {  	v0 =	vadd.f32 v2, v0;
	_ =	sdelay $0x1  }
0xad: {  	v0 =	vmul.f32 $4.761904850e-02, v0;
	_ =	sdelay $0x1  }
0xae: {  	[tilespmem:s25+$0xAAC0] =	vst v0;
	v0 =	vld [tilespmem:s25+$0x2D0]  }
0xaf: {  	v1 =	vld [tilespmem:s26+$0xFFFFFDB0];
	_ =	sdelay $0x1  }
0xb0: {  	v2 =	vld [tilespmem:s26+$0xFFFFFDF0];
	_ =	sdelay $0x1  }
0xb1: {  	v3 =	vld [tilespmem:s26+$0xFFFFFE30]  }
0xb2: {  	v0 =	vadd.f32 v1, v0  }
0xb3: {  	v1 =	vld [tilespmem:s26+$0xFFFFFE70]  }
0xb4: {  	v0 =	vadd.f32 v2, v0  }
0xb5: {  	v2 =	vld [tilespmem:s26+$0xFFFFFEB0]  }
0xb6: {  	v0 =	vadd.f32 v3, v0  }
0xb7: {  	v3 =	vld [tilespmem:s26+$0xFFFFFEF0]  }
0xb8: {  	v0 =	vadd.f32 v1, v0  }
0xb9: {  	v1 =	vld [tilespmem:s26+$0xFFFFFF30]  }
0xba: {  	v0 =	vadd.f32 v2, v0  }
0xbb: {  	v2 =	vld [tilespmem:s26+$0xFFFFFF70]  }
0xbc: {  	v0 =	vadd.f32 v3, v0  }
0xbd: {  	v3 =	vld [tilespmem:s26+$0xFFFFFFB0]  }
0xbe: {  	v0 =	vadd.f32 v1, v0  }
0xbf: {  	v1 =	vld [tilespmem:s26+$0xFFFFFFF0]  }
0xc0: {  	v0 =	vadd.f32 v2, v0  }
0xc1: {  	v2 =	vld [tilespmem:s26+$0x30]  }
0xc2: {  	v0 =	vadd.f32 v3, v0  }
0xc3: {  	v3 =	vld [tilespmem:s26+$0x70]  }
0xc4: {  	v0 =	vadd.f32 v1, v0  }
0xc5: {  	v1 =	vld [tilespmem:s26+$0xB0]  }
0xc6: {  	v0 =	vadd.f32 v2, v0  }
0xc7: {  	v2 =	vld [tilespmem:s26+$0xF0]  }
0xc8: {  	v0 =	vadd.f32 v3, v0  }
0xc9: {  	v3 =	vld [tilespmem:s26+$0x130]  }
0xca: {  	v0 =	vadd.f32 v1, v0  }
0xcb: {  	v1 =	vld [tilespmem:s26+$0x170]  }
0xcc: {  	v0 =	vadd.f32 v2, v0  }
0xcd: {  	v2 =	vld [tilespmem:s26+$0x1B0]  }
0xce: {  	v0 =	vadd.f32 v3, v0  }
0xcf: {  	v3 =	vld [tilespmem:s26+$0x1F0]  }
0xd0: {  	v0 =	vadd.f32 v1, v0  }
0xd1: {  	v1 =	vld [tilespmem:s26+$0x230]  }
0xd2: {  	v0 =	vadd.f32 v2, v0  }
0xd3: {  	v2 =	vld [tilespmem:s26+$0x270]  }
0xd4: {  	v0 =	vadd.f32 v3, v0;
	_ =	sdelay $0x1  }
0xd5: {  	v0 =	vadd.f32 v1, v0;
	_ =	sdelay $0x1  }
0xd6: {  	v0 =	vadd.f32 v2, v0;
	_ =	sdelay $0x1  }
0xd7: {  	s28 =	simm.s32 $0x100;
	s30 =	simm.s32 $0x200;
	v0 =	vmul.f32 $4.761904850e-02, v0  }
.LBB2_2:
0xd8: {  	s31 =	sshra.s32 s28, $0x2  }
0xd9: {  	s26 =	sadd.s32 $0x500, s26;
	s28 =	smov.u32 s30;
	s29 =	sadd.s32 $0x100, s30  }
0xda: {  	p0 =	sne.s32 s30, $0x1F00;
	v1 =	vld [tilespmem:s31+$0x2A0];
	[tilespmem:s25+$0xAAD0] =	vst v0;
	s25 =	smov.u32 s31  }
0xdb: {  	v0 =	vld [tilespmem:s26+$0xFFFFFD80]  }
0xdc: {  	v2 =	vld [tilespmem:s26+$0xFFFFFDC0];
	_ =	sdelay $0x1  }
0xdd: {  	v3 =	vld [tilespmem:s26+$0xFFFFFE00];
	_ =	sdelay $0x1  }
0xde: {  	v0 =	vadd.f32 v0, v1;
	v1 =	vld [tilespmem:s26+$0xFFFFFE40];
	_ =	sdelay $0x1  }
0xdf: {  	v0 =	vadd.f32 v2, v0;
	v2 =	vld [tilespmem:s26+$0xFFFFFE80];
	_ =	sdelay $0x1  }
0xe0: {  	v0 =	vadd.f32 v3, v0;
	v3 =	vld [tilespmem:s26+$0xFFFFFEC0];
	_ =	sdelay $0x1  }
0xe1: {  	v0 =	vadd.f32 v1, v0;
	v1 =	vld [tilespmem:s26+$0xFFFFFF00];
	_ =	sdelay $0x1  }
0xe2: {  	v0 =	vadd.f32 v2, v0;
	v2 =	vld [tilespmem:s26+$0xFFFFFF40];
	_ =	sdelay $0x1  }
0xe3: {  	v0 =	vadd.f32 v3, v0;
	v3 =	vld [tilespmem:s26+$0xFFFFFF80];
	_ =	sdelay $0x1  }
0xe4: {  	v0 =	vadd.f32 v1, v0;
	v1 =	vld [tilespmem:s26+$0xFFFFFFC0];
	_ =	sdelay $0x1  }
0xe5: {  	v0 =	vadd.f32 v2, v0;
	v2 =	vld [tilespmem:s26+$0x0];
	_ =	sdelay $0x1  }
0xe6: {  	v0 =	vadd.f32 v3, v0;
	v3 =	vld [tilespmem:s26+$0x40];
	_ =	sdelay $0x1  }
0xe7: {  	v0 =	vadd.f32 v1, v0;
	v1 =	vld [tilespmem:s26+$0x80];
	_ =	sdelay $0x1  }
0xe8: {  	v0 =	vadd.f32 v2, v0;
	v2 =	vld [tilespmem:s26+$0xC0];
	_ =	sdelay $0x1  }
0xe9: {  	v0 =	vadd.f32 v3, v0;
	v3 =	vld [tilespmem:s26+$0x100];
	_ =	sdelay $0x1  }
0xea: {  	v0 =	vadd.f32 v1, v0;
	v1 =	vld [tilespmem:s26+$0x140];
	_ =	sdelay $0x1  }
0xeb: {  	v0 =	vadd.f32 v2, v0;
	v2 =	vld [tilespmem:s26+$0x180];
	_ =	sdelay $0x1  }
0xec: {  	v0 =	vadd.f32 v3, v0;
	v3 =	vld [tilespmem:s26+$0x1C0];
	_ =	sdelay $0x1  }
0xed: {  	v0 =	vadd.f32 v1, v0;
	v1 =	vld [tilespmem:s26+$0x200];
	_ =	sdelay $0x1  }
0xee: {  	v0 =	vadd.f32 v2, v0;
	v2 =	vld [tilespmem:s26+$0x240];
	_ =	sdelay $0x1  }
0xef: {  	v0 =	vadd.f32 v3, v0;
	_ =	sdelay $0x1  }
0xf0: {  	v0 =	vadd.f32 v1, v0;
	_ =	sdelay $0x1  }
0xf1: {  	v0 =	vadd.f32 v2, v0;
	_ =	sdelay $0x1  }
0xf2: {  	v0 =	vmul.f32 $4.761904850e-02, v0;
	_ =	sdelay $0x1  }
0xf3: {  	[tilespmem:s25+$0xAAA0] =	vst v0;
	v0 =	vld [tilespmem:s25+$0x2B0]  }
0xf4: {  	v1 =	vld [tilespmem:s26+$0xFFFFFD90]  }
0xf5: {  	v2 =	vld [tilespmem:s26+$0xFFFFFDD0];
	_ =	sdelay $0x1  }
0xf6: {  	v3 =	vld [tilespmem:s26+$0xFFFFFE10];
	_ =	sdelay $0x1  }
0xf7: {  	v0 =	vadd.f32 v1, v0;
	v1 =	vld [tilespmem:s26+$0xFFFFFE50];
	_ =	sdelay $0x1  }
0xf8: {  	v0 =	vadd.f32 v2, v0;
	v2 =	vld [tilespmem:s26+$0xFFFFFE90];
	_ =	sdelay $0x1  }
0xf9: {  	v0 =	vadd.f32 v3, v0;
	v3 =	vld [tilespmem:s26+$0xFFFFFED0];
	_ =	sdelay $0x1  }
0xfa: {  	v0 =	vadd.f32 v1, v0;
	v1 =	vld [tilespmem:s26+$0xFFFFFF10];
	_ =	sdelay $0x1  }
0xfb: {  	v0 =	vadd.f32 v2, v0;
	v2 =	vld [tilespmem:s26+$0xFFFFFF50];
	_ =	sdelay $0x1  }
0xfc: {  	v0 =	vadd.f32 v3, v0;
	v3 =	vld [tilespmem:s26+$0xFFFFFF90];
	_ =	sdelay $0x1  }
0xfd: {  	v0 =	vadd.f32 v1, v0;
	v1 =	vld [tilespmem:s26+$0xFFFFFFD0];
	_ =	sdelay $0x1  }
0xfe: {  	v0 =	vadd.f32 v2, v0;
	v2 =	vld [tilespmem:s26+$0x10];
	_ =	sdelay $0x1  }
0xff: {  	v0 =	vadd.f32 v3, v0;
	v3 =	vld [tilespmem:s26+$0x50];
	_ =	sdelay $0x1  }
0x100: {  	v0 =	vadd.f32 v1, v0;
	v1 =	vld [tilespmem:s26+$0x90];
	_ =	sdelay $0x1  }
0x101: {  	v0 =	vadd.f32 v2, v0;
	v2 =	vld [tilespmem:s26+$0xD0];
	_ =	sdelay $0x1  }
0x102: {  	v0 =	vadd.f32 v3, v0;
	v3 =	vld [tilespmem:s26+$0x110];
	_ =	sdelay $0x1  }
0x103: {  	v0 =	vadd.f32 v1, v0;
	v1 =	vld [tilespmem:s26+$0x150];
	_ =	sdelay $0x1  }
0x104: {  	v0 =	vadd.f32 v2, v0;
	v2 =	vld [tilespmem:s26+$0x190];
	_ =	sdelay $0x1  }
0x105: {  	v0 =	vadd.f32 v3, v0;
	v3 =	vld [tilespmem:s26+$0x1D0];
	_ =	sdelay $0x1  }
0x106: {  	v0 =	vadd.f32 v1, v0;
	v1 =	vld [tilespmem:s26+$0x210];
	_ =	sdelay $0x1  }
0x107: {  	v0 =	vadd.f32 v2, v0;
	v2 =	vld [tilespmem:s26+$0x250];
	_ =	sdelay $0x1  }
0x108: {  	v0 =	vadd.f32 v3, v0;
	_ =	sdelay $0x1  }
0x109: {  	v0 =	vadd.f32 v1, v0;
	_ =	sdelay $0x1  }
0x10a: {  	v0 =	vadd.f32 v2, v0;
	_ =	sdelay $0x1  }
0x10b: {  	v0 =	vmul.f32 $4.761904850e-02, v0;
	_ =	sdelay $0x1  }
0x10c: {  	[tilespmem:s25+$0xAAB0] =	vst v0;
	v0 =	vld [tilespmem:s25+$0x2C0]  }
0x10d: {  	v1 =	vld [tilespmem:s26+$0xFFFFFDA0]  }
0x10e: {  	v2 =	vld [tilespmem:s26+$0xFFFFFDE0];
	_ =	sdelay $0x1  }
0x10f: {  	v3 =	vld [tilespmem:s26+$0xFFFFFE20];
	_ =	sdelay $0x1  }
0x110: {  	v0 =	vadd.f32 v1, v0;
	v1 =	vld [tilespmem:s26+$0xFFFFFE60];
	_ =	sdelay $0x1  }
0x111: {  	v0 =	vadd.f32 v2, v0;
	v2 =	vld [tilespmem:s26+$0xFFFFFEA0];
	_ =	sdelay $0x1  }
0x112: {  	v0 =	vadd.f32 v3, v0;
	v3 =	vld [tilespmem:s26+$0xFFFFFEE0];
	_ =	sdelay $0x1  }
0x113: {  	v0 =	vadd.f32 v1, v0;
	v1 =	vld [tilespmem:s26+$0xFFFFFF20];
	_ =	sdelay $0x1  }
0x114: {  	v0 =	vadd.f32 v2, v0;
	v2 =	vld [tilespmem:s26+$0xFFFFFF60];
	_ =	sdelay $0x1  }
0x115: {  	v0 =	vadd.f32 v3, v0;
	v3 =	vld [tilespmem:s26+$0xFFFFFFA0];
	_ =	sdelay $0x1  }
0x116: {  	v0 =	vadd.f32 v1, v0;
	v1 =	vld [tilespmem:s26+$0xFFFFFFE0];
	_ =	sdelay $0x1  }
0x117: {  	v0 =	vadd.f32 v2, v0;
	v2 =	vld [tilespmem:s26+$0x20];
	_ =	sdelay $0x1  }
0x118: {  	v0 =	vadd.f32 v3, v0;
	v3 =	vld [tilespmem:s26+$0x60];
	_ =	sdelay $0x1  }
0x119: {  	v0 =	vadd.f32 v1, v0;
	v1 =	vld [tilespmem:s26+$0xA0];
	_ =	sdelay $0x1  }
0x11a: {  	v0 =	vadd.f32 v2, v0;
	v2 =	vld [tilespmem:s26+$0xE0];
	_ =	sdelay $0x1  }
0x11b: {  	v0 =	vadd.f32 v3, v0;
	v3 =	vld [tilespmem:s26+$0x120];
	_ =	sdelay $0x1  }
0x11c: {  	v0 =	vadd.f32 v1, v0;
	v1 =	vld [tilespmem:s26+$0x160];
	_ =	sdelay $0x1  }
0x11d: {  	v0 =	vadd.f32 v2, v0;
	v2 =	vld [tilespmem:s26+$0x1A0];
	_ =	sdelay $0x1  }
0x11e: {  	v0 =	vadd.f32 v3, v0;
	v3 =	vld [tilespmem:s26+$0x1E0];
	_ =	sdelay $0x1  }
0x11f: {  	v0 =	vadd.f32 v1, v0;
	v1 =	vld [tilespmem:s26+$0x220];
	_ =	sdelay $0x1  }
0x120: {  	v0 =	vadd.f32 v2, v0;
	v2 =	vld [tilespmem:s26+$0x260];
	_ =	sdelay $0x1  }
0x121: {  	v0 =	vadd.f32 v3, v0;
	_ =	sdelay $0x1  }
0x122: {  	v0 =	vadd.f32 v1, v0;
	_ =	sdelay $0x1  }
0x123: {  	v0 =	vadd.f32 v2, v0;
	_ =	sdelay $0x1  }
0x124: {  	v0 =	vmul.f32 $4.761904850e-02, v0;
	_ =	sdelay $0x1  }
0x125: {  	[tilespmem:s25+$0xAAC0] =	vst v0;
	v0 =	vld [tilespmem:s25+$0x2D0]  }
0x126: {  	v1 =	vld [tilespmem:s26+$0xFFFFFDB0]  }
0x127: {  	v2 =	vld [tilespmem:s26+$0xFFFFFDF0]  }
0x128: {  	v3 =	vld [tilespmem:s26+$0xFFFFFE30]  }
0x129: {  	v4 =	vld [tilespmem:s26+$0xFFFFFE70]  }
0x12a: {  	v5 =	vld [tilespmem:s26+$0xFFFFFEB0]  }
0x12b: {  	v0 =	vadd.f32 v1, v0;
	v1 =	vld [tilespmem:s26+$0xFFFFFEF0]  }
0x12c: {  	v6 =	vld [tilespmem:s26+$0xFFFFFF30]  }
0x12d: {  	v0 =	vadd.f32 v2, v0;
	v2 =	vld [tilespmem:s26+$0xFFFFFF70]  }
0x12e: {  	v7 =	vld [tilespmem:s26+$0xFFFFFFB0]  }
0x12f: {  	v0 =	vadd.f32 v3, v0;
	v3 =	vld [tilespmem:s26+$0xFFFFFFF0]  }
0x130: {  	v8 =	vld [tilespmem:s26+$0x30]  }
0x131: {  	v0 =	vadd.f32 v4, v0;
	v4 =	vld [tilespmem:s26+$0x70]  }
0x132: {  	v9 =	vld [tilespmem:s26+$0xB0]  }
0x133: {  	v0 =	vadd.f32 v5, v0;
	v5 =	vld [tilespmem:s26+$0xF0]  }
0x134: {  	v10 =	vld [tilespmem:s26+$0x130]  }
0x135: {  	v0 =	vadd.f32 v1, v0;
	v1 =	vld [tilespmem:s26+$0x170]  }
0x136: {  	v11 =	vld [tilespmem:s26+$0x1B0]  }
0x137: {  	v0 =	vadd.f32 v6, v0;
	v6 =	vld [tilespmem:s26+$0x1F0]  }
0x138: {  	v12 =	vld [tilespmem:s26+$0x230]  }
0x139: {  	v0 =	vadd.f32 v2, v0;
	v2 =	vld [tilespmem:s26+$0x270];
	_ =	sdelay $0x1  }
0x13a: {  	v0 =	vadd.f32 v7, v0;
	_ =	sdelay $0x1  }
0x13b: {  	v0 =	vadd.f32 v3, v0;
	_ =	sdelay $0x1  }
0x13c: {  	v0 =	vadd.f32 v8, v0;
	_ =	sdelay $0x1  }
0x13d: {  	v0 =	vadd.f32 v4, v0;
	_ =	sdelay $0x1  }
0x13e: {  	v0 =	vadd.f32 v9, v0;
	_ =	sdelay $0x1  }
0x13f: {  	v0 =	vadd.f32 v5, v0;
	_ =	sdelay $0x1  }
0x140: {  	v0 =	vadd.f32 v10, v0;
	_ =	sdelay $0x1  }
0x141: {  	v0 =	vadd.f32 v1, v0;
	_ =	sdelay $0x1  }
0x142: {  	v0 =	vadd.f32 v11, v0;
	_ =	sdelay $0x1  }
0x143: {  	v0 =	vadd.f32 v6, v0;
	_ =	sdelay $0x1  }
.Ltmp0:
0x144: {  	v0 =	vadd.f32 v12, v0;
	(pc) =	sbr.rel @p0 .LBB2_2-.Ltmp0, $3  }
0x145: {  	_ = 	snop  }
0x146: {  	v0 =	vadd.f32 v2, v0;
	_ =	sdelay $0x1  }
0x147: {  	s30 =	smov.u32 s29;
	v0 =	vmul.f32 $4.761904850e-02, v0  }
0x148: {  	s28 =	sshra.s32 s28, $0x2  }
0x149: {  	s26 =	sadd.s32 $0x500, s26;
	v1 =	vld [tilespmem:s28+$0x2A0];
	[tilespmem:s25+$0xAAD0] =	vst v0  }
0x14a: {  	v0 =	vld [tilespmem:s26+$0xFFFFFD80];
	_ =	sdelay $0x1  }
0x14b: {  	v2 =	vld [tilespmem:s26+$0xFFFFFDC0];
	_ =	sdelay $0x1  }
0x14c: {  	v3 =	vld [tilespmem:s26+$0xFFFFFE00]  }
0x14d: {  	v0 =	vadd.f32 v0, v1  }
0x14e: {  	v42 =	vld [tilespmem:s26+$0xFFFFFE40]  }
0x14f: {  	v0 =	vadd.f32 v2, v0  }
0x150: {  	v43 =	vld [tilespmem:s26+$0xFFFFFE80]  }
0x151: {  	v0 =	vadd.f32 v3, v0  }
0x152: {  	v44 =	vld [tilespmem:s26+$0xFFFFFEC0]  }
0x153: {  	v0 =	vadd.f32 v42, v0  }
0x154: {  	v45 =	vld [tilespmem:s26+$0xFFFFFF00]  }
0x155: {  	v0 =	vadd.f32 v43, v0  }
0x156: {  	v46 =	vld [tilespmem:s26+$0xFFFFFF40]  }
0x157: {  	v0 =	vadd.f32 v44, v0  }
0x158: {  	v47 =	vld [tilespmem:s26+$0xFFFFFF80]  }
0x159: {  	v0 =	vadd.f32 v45, v0  }
0x15a: {  	v48 =	vld [tilespmem:s26+$0xFFFFFFC0]  }
0x15b: {  	v0 =	vadd.f32 v46, v0  }
0x15c: {  	v49 =	vld [tilespmem:s26+$0x0]  }
0x15d: {  	v0 =	vadd.f32 v47, v0  }
0x15e: {  	v50 =	vld [tilespmem:s26+$0x40]  }
0x15f: {  	v0 =	vadd.f32 v48, v0  }
0x160: {  	v51 =	vld [tilespmem:s26+$0x80]  }
0x161: {  	v0 =	vadd.f32 v49, v0  }
0x162: {  	v52 =	vld [tilespmem:s26+$0xC0]  }
0x163: {  	v0 =	vadd.f32 v50, v0  }
0x164: {  	v53 =	vld [tilespmem:s26+$0x100]  }
0x165: {  	v0 =	vadd.f32 v51, v0  }
0x166: {  	v54 =	vld [tilespmem:s26+$0x140]  }
0x167: {  	v0 =	vadd.f32 v52, v0  }
0x168: {  	v55 =	vld [tilespmem:s26+$0x180]  }
0x169: {  	v0 =	vadd.f32 v53, v0  }
0x16a: {  	v56 =	vld [tilespmem:s26+$0x1C0]  }
0x16b: {  	v0 =	vadd.f32 v54, v0  }
0x16c: {  	v57 =	vld [tilespmem:s26+$0x200]  }
0x16d: {  	v0 =	vadd.f32 v55, v0  }
0x16e: {  	v58 =	vld [tilespmem:s26+$0x240]  }
0x16f: {  	v0 =	vadd.f32 v56, v0;
	_ =	sdelay $0x1  }
0x170: {  	v0 =	vadd.f32 v57, v0;
	_ =	sdelay $0x1  }
0x171: {  	v0 =	vadd.f32 v58, v0;
	_ =	sdelay $0x1  }
0x172: {  	v0 =	vmul.f32 $4.761904850e-02, v0;
	_ =	sdelay $0x1  }
0x173: {  	v59 =	vld [tilespmem:s28+$0x2B0];
	[tilespmem:s28+$0xAAA0] =	vst v0  }
0x174: {  	v60 =	vld [tilespmem:s26+$0xFFFFFD90];
	_ =	sdelay $0x1  }
0x175: {  	v61 =	vld [tilespmem:s26+$0xFFFFFDD0];
	_ =	sdelay $0x1  }
0x176: {  	v62 =	vld [tilespmem:s26+$0xFFFFFE10]  }
0x177: {  	v0 =	vadd.f32 v60, v59  }
0x178: {  	v63 =	vld [tilespmem:s26+$0xFFFFFE50]  }
0x179: {  	v0 =	vadd.f32 v61, v0  }
0x17a: {  	v6 =	vld [tilespmem:s26+$0xFFFFFE90]  }
0x17b: {  	v0 =	vadd.f32 v62, v0  }
0x17c: {  	v7 =	vld [tilespmem:s26+$0xFFFFFED0]  }
0x17d: {  	v0 =	vadd.f32 v63, v0  }
0x17e: {  	v8 =	vld [tilespmem:s26+$0xFFFFFF10]  }
0x17f: {  	v0 =	vadd.f32 v6, v0  }
0x180: {  	v9 =	vld [tilespmem:s26+$0xFFFFFF50]  }
0x181: {  	v0 =	vadd.f32 v7, v0  }
0x182: {  	v10 =	vld [tilespmem:s26+$0xFFFFFF90]  }
0x183: {  	v0 =	vadd.f32 v8, v0  }
0x184: {  	v11 =	vld [tilespmem:s26+$0xFFFFFFD0]  }
0x185: {  	v0 =	vadd.f32 v9, v0  }
0x186: {  	v12 =	vld [tilespmem:s26+$0x10]  }
0x187: {  	v0 =	vadd.f32 v10, v0  }
0x188: {  	v13 =	vld [tilespmem:s26+$0x50]  }
0x189: {  	v0 =	vadd.f32 v11, v0  }
0x18a: {  	v14 =	vld [tilespmem:s26+$0x90]  }
0x18b: {  	v0 =	vadd.f32 v12, v0  }
0x18c: {  	v15 =	vld [tilespmem:s26+$0xD0]  }
0x18d: {  	v0 =	vadd.f32 v13, v0  }
0x18e: {  	v16 =	vld [tilespmem:s26+$0x110]  }
0x18f: {  	v0 =	vadd.f32 v14, v0  }
0x190: {  	v17 =	vld [tilespmem:s26+$0x150]  }
0x191: {  	v0 =	vadd.f32 v15, v0  }
0x192: {  	v18 =	vld [tilespmem:s26+$0x190]  }
0x193: {  	v0 =	vadd.f32 v16, v0  }
0x194: {  	v19 =	vld [tilespmem:s26+$0x1D0]  }
0x195: {  	v0 =	vadd.f32 v17, v0  }
0x196: {  	v20 =	vld [tilespmem:s26+$0x210]  }
0x197: {  	v0 =	vadd.f32 v18, v0  }
0x198: {  	v21 =	vld [tilespmem:s26+$0x250]  }
0x199: {  	v0 =	vadd.f32 v19, v0;
	_ =	sdelay $0x1  }
0x19a: {  	v0 =	vadd.f32 v20, v0;
	_ =	sdelay $0x1  }
0x19b: {  	v0 =	vadd.f32 v21, v0;
	_ =	sdelay $0x1  }
0x19c: {  	v0 =	vmul.f32 $4.761904850e-02, v0;
	_ =	sdelay $0x1  }
0x19d: {  	v22 =	vld [tilespmem:s28+$0x2C0];
	[tilespmem:s28+$0xAAB0] =	vst v0  }
0x19e: {  	v23 =	vld [tilespmem:s26+$0xFFFFFDA0];
	_ =	sdelay $0x1  }
0x19f: {  	v24 =	vld [tilespmem:s26+$0xFFFFFDE0];
	_ =	sdelay $0x1  }
0x1a0: {  	v25 =	vld [tilespmem:s26+$0xFFFFFE20]  }
0x1a1: {  	v0 =	vadd.f32 v23, v22  }
0x1a2: {  	v26 =	vld [tilespmem:s26+$0xFFFFFE60]  }
0x1a3: {  	v0 =	vadd.f32 v24, v0  }
0x1a4: {  	v27 =	vld [tilespmem:s26+$0xFFFFFEA0]  }
0x1a5: {  	v0 =	vadd.f32 v25, v0  }
0x1a6: {  	v28 =	vld [tilespmem:s26+$0xFFFFFEE0]  }
0x1a7: {  	v0 =	vadd.f32 v26, v0  }
0x1a8: {  	v29 =	vld [tilespmem:s26+$0xFFFFFF20]  }
0x1a9: {  	v0 =	vadd.f32 v27, v0  }
0x1aa: {  	v30 =	vld [tilespmem:s26+$0xFFFFFF60]  }
0x1ab: {  	v0 =	vadd.f32 v28, v0  }
0x1ac: {  	v31 =	vld [tilespmem:s26+$0xFFFFFFA0]  }
0x1ad: {  	v0 =	vadd.f32 v29, v0  }
0x1ae: {  	v32 =	vld [tilespmem:s26+$0xFFFFFFE0]  }
0x1af: {  	v0 =	vadd.f32 v30, v0  }
0x1b0: {  	v33 =	vld [tilespmem:s26+$0x20]  }
0x1b1: {  	v0 =	vadd.f32 v31, v0  }
0x1b2: {  	v34 =	vld [tilespmem:s26+$0x60]  }
0x1b3: {  	v0 =	vadd.f32 v32, v0  }
0x1b4: {  	v35 =	vld [tilespmem:s26+$0xA0]  }
0x1b5: {  	v0 =	vadd.f32 v33, v0  }
0x1b6: {  	v36 =	vld [tilespmem:s26+$0xE0]  }
0x1b7: {  	v0 =	vadd.f32 v34, v0  }
0x1b8: {  	v37 =	vld [tilespmem:s26+$0x120]  }
0x1b9: {  	v0 =	vadd.f32 v35, v0  }
0x1ba: {  	v38 =	vld [tilespmem:s26+$0x160]  }
0x1bb: {  	v0 =	vadd.f32 v36, v0  }
0x1bc: {  	v39 =	vld [tilespmem:s26+$0x1A0]  }
0x1bd: {  	v0 =	vadd.f32 v37, v0  }
0x1be: {  	v40 =	vld [tilespmem:s26+$0x1E0]  }
0x1bf: {  	v0 =	vadd.f32 v38, v0  }
0x1c0: {  	v41 =	vld [tilespmem:s26+$0x220]  }
0x1c1: {  	v0 =	vadd.f32 v39, v0  }
0x1c2: {  	v42 =	vld [tilespmem:s26+$0x260]  }
0x1c3: {  	v0 =	vadd.f32 v40, v0;
	_ =	sdelay $0x1  }
0x1c4: {  	v0 =	vadd.f32 v41, v0;
	_ =	sdelay $0x1  }
0x1c5: {  	v0 =	vadd.f32 v42, v0;
	_ =	sdelay $0x1  }
0x1c6: {  	v0 =	vmul.f32 $4.761904850e-02, v0;
	_ =	sdelay $0x1  }
0x1c7: {  	v43 =	vld [tilespmem:s28+$0x2D0];
	[tilespmem:s28+$0xAAC0] =	vst v0  }
0x1c8: {  	v44 =	vld [tilespmem:s26+$0xFFFFFDB0];
	_ =	sdelay $0x1  }
0x1c9: {  	v45 =	vld [tilespmem:s26+$0xFFFFFDF0];
	_ =	sdelay $0x1  }
0x1ca: {  	v46 =	vld [tilespmem:s26+$0xFFFFFE30]  }
0x1cb: {  	v0 =	vadd.f32 v44, v43  }
0x1cc: {  	v47 =	vld [tilespmem:s26+$0xFFFFFE70]  }
0x1cd: {  	v0 =	vadd.f32 v45, v0  }
0x1ce: {  	v48 =	vld [tilespmem:s26+$0xFFFFFEB0]  }
0x1cf: {  	v0 =	vadd.f32 v46, v0  }
0x1d0: {  	v49 =	vld [tilespmem:s26+$0xFFFFFEF0]  }
0x1d1: {  	v0 =	vadd.f32 v47, v0  }
0x1d2: {  	v50 =	vld [tilespmem:s26+$0xFFFFFF30]  }
0x1d3: {  	v0 =	vadd.f32 v48, v0  }
0x1d4: {  	v51 =	vld [tilespmem:s26+$0xFFFFFF70]  }
0x1d5: {  	v0 =	vadd.f32 v49, v0  }
0x1d6: {  	v52 =	vld [tilespmem:s26+$0xFFFFFFB0]  }
0x1d7: {  	v0 =	vadd.f32 v50, v0  }
0x1d8: {  	v53 =	vld [tilespmem:s26+$0xFFFFFFF0]  }
0x1d9: {  	v0 =	vadd.f32 v51, v0  }
0x1da: {  	v54 =	vld [tilespmem:s26+$0x30]  }
0x1db: {  	v0 =	vadd.f32 v52, v0  }
0x1dc: {  	v55 =	vld [tilespmem:s26+$0x70]  }
0x1dd: {  	v0 =	vadd.f32 v53, v0  }
0x1de: {  	v56 =	vld [tilespmem:s26+$0xB0]  }
0x1df: {  	v0 =	vadd.f32 v54, v0  }
0x1e0: {  	v57 =	vld [tilespmem:s26+$0xF0]  }
0x1e1: {  	v0 =	vadd.f32 v55, v0  }
0x1e2: {  	v58 =	vld [tilespmem:s26+$0x130]  }
0x1e3: {  	v0 =	vadd.f32 v56, v0  }
0x1e4: {  	v59 =	vld [tilespmem:s26+$0x170]  }
0x1e5: {  	v0 =	vadd.f32 v57, v0  }
0x1e6: {  	v60 =	vld [tilespmem:s26+$0x1B0]  }
0x1e7: {  	v0 =	vadd.f32 v58, v0  }
0x1e8: {  	v61 =	vld [tilespmem:s26+$0x1F0]  }
0x1e9: {  	v0 =	vadd.f32 v59, v0  }
0x1ea: {  	v62 =	vld [tilespmem:s26+$0x230]  }
0x1eb: {  	v0 =	vadd.f32 v60, v0  }
0x1ec: {  	v63 =	vld [tilespmem:s26+$0x270]  }
0x1ed: {  	v0 =	vadd.f32 v61, v0;
	_ =	sdelay $0x1  }
0x1ee: {  	v0 =	vadd.f32 v62, v0;
	_ =	sdelay $0x1  }
0x1ef: {  	v0 =	vadd.f32 v63, v0;
	_ =	sdelay $0x1  }
0x1f0: {  	s24 =	sadd.s32 $0x1, s24;
	v0 =	vmul.f32 $4.761904850e-02, v0  }
0x1f1: {  	p0 =	sne.s32 s24, s8  }
.Ltmp1:
0x1f2: {  	[tilespmem:s28+$0xAAD0] =	vst v0;
	(pc) =	sbr.rel @p0 .LBB2_1-.Ltmp1, $4  }
0x1f3: {  	[hbm4b:s7+s3] =	stream.linear.scatter [tilespmem:s23], [sflag:$0x2], $0x800, $0x38;
	[tilespmem:$0xB2A0] =	vst v63  }
0x1f4: {  	_ =	swait.ge [sflag:s9], $0x800  }
0x1f5: {  	[sflag:s9] =	ssyncset.done $0x0  }
0x1f6: {  	[sflag:s9] =	ssyncadd.s32 $0xFFFFF800  }
0x1f7: {  	_ =	sfence.sel $0x180000  }
0x1f8: {  	[bflag:$0x0] =	sbarrier.arrive $0xFFFF  }
0x1f9: {  	p0 =	sne.s32 s0, $0x0;
	_ =	strace $0x90000047  }
0x1fa: {  	s0 =	sadd.s32 @!p0 $0x100000, s1;
	[bflag:$0x2] =	sbarrier.arrive $0xFFFF  }
0x1fb: {  	[sflag:s0] =	ssyncadd.tile.s32 @!p0 $0x1;
	_ =	shalt  }
.Lfunc_end2:
_tile_overlayer_lowered:
.L_overlay_start_2:
0x1fc: {  	(tag) =	ssettag $0x2  }
0x1fd: {  	s0 =	rddreg [dreg:$0x0];
	s2 =	stileid.u32  }
0x1fe: {  	s1 =	rddreg [dreg:$0x1];
	p0 =	sne.s32 s2, $0x0  }
0x1ff: {  	s3 =	rddreg [dreg:$0x2];
	[bflag:$0x3] =	sbarrier.arrive $0xFFFF;
	s2 =	simm.s32 @!p0 $0x1C02  }
0x200: {  	[timem:s3], [sflag:s2] =	dma.local @!p0 [hbm:s0], s1  }
0x201: {  	s0 =	simm.s32 @!p0 $0x2  }
0x202: {  	_ =	swait.ge @!p0 [sflag:s0], s1  }
0x203: {  	s1 =	ssub.s32 @!p0 $0x0, s1;
	[sflag:s0] =	ssyncset.done @!p0 $0x0  }
0x204: {  	[sflag:s0] =	ssyncadd.s32 @!p0 s1  }
0x205: {  	[bflag:$0x3] =	sbarrier.arrive $0xFFFF  }
0x206: {  	_ =	shalt  }

</sc_bundles>
